<compile_context>
chip_gen: v7x
topology: tpu7x:2x2x1
jax: 0.10.2.dev20260603
libtpu: 0.0.44.dev20260713+nightly
codegen_flags: <defaults>
</compile_context>

<pallas_src>
import functools

import numpy as np

import jax
import jax.numpy as jnp
from jax import lax
from jax.experimental import pallas as pl
from jax.experimental.pallas import tpu as pltpu
from jax.experimental.pallas import tpu_sc as plsc

_NSEG = 10000
_NEDGE = 320000
_D = 128
_NC = 2
_NS = 16
_NW = _NC * _NS
_EDGES_PER_TILE = _NEDGE // _NW
_K = 80
_NITER = _EDGES_PER_TILE // _K
_NBUF = 4
_RPT = 624
_TAIL = _NSEG - _RPT * _NS

_mesh = plsc.VectorSubcoreMesh(core_axis_name="c", subcore_axis_name="s")


@functools.partial(
    pl.kernel,
    out_type=(
        jax.ShapeDtypeStruct((_NSEG, _D), jnp.float32),
        jax.ShapeDtypeStruct((_NSEG, _D), jnp.float32),
    ),
    mesh=_mesh,
    scratch_types=[
        [pltpu.VMEM((_K,), jnp.int32) for _ in range(_NBUF)],
        [pltpu.VMEM((_K, _D), jnp.float32) for _ in range(_NBUF)],
        pltpu.VMEM_SHARED((_NSEG, _D), jnp.float32),
        [pltpu.SemaphoreType.DMA for _ in range(_NBUF)],
        [pltpu.SemaphoreType.DMA for _ in range(_NBUF)],
    ],
)
def _sc_partials(
    feat_hbm, ids_hbm, zeros_hbm, out0, out1, idbufs, bufs, acc, sems, ssems
):
    c = lax.axis_index("c")
    s = lax.axis_index("s")
    wid = s * _NC + c
    base = wid * _EDGES_PER_TILE
    r0 = s * _RPT

    for b in range(_NBUF):
        pltpu.make_async_copy(
            ids_hbm.at[pl.ds(base + b * _K, _K)], idbufs[b], sems[b]
        ).start()
        pltpu.make_async_copy(
            feat_hbm.at[pl.ds(base + b * _K, _K)], bufs[b], sems[b]
        ).start()
    pltpu.sync_copy(zeros_hbm.at[pl.ds(r0, _RPT)], acc.at[pl.ds(r0, _RPT)])

    @pl.when(s == 0)
    def _():
        pltpu.sync_copy(
            zeros_hbm.at[pl.ds(_RPT * _NS, _TAIL)], acc.at[pl.ds(_RPT * _NS, _TAIL)]
        )

    plsc.subcore_barrier()

    def run_block(g, b):
        off = base + g * _K
        pltpu.make_async_copy(ids_hbm.at[pl.ds(off, _K)], idbufs[b], sems[b]).wait()
        pltpu.make_async_copy(feat_hbm.at[pl.ds(off, _K)], bufs[b], sems[b]).wait()
        pltpu.async_copy(bufs[b], acc.at[idbufs[b]], ssems[b], add=True)

        @pl.when(g >= 1)
        def _():
            bp = (b - 1) % _NBUF
            pltpu.make_async_copy(bufs[bp], acc.at[idbufs[bp]], ssems[bp]).wait()

            @pl.when(g - 1 + _NBUF < _NITER)
            def _():
                off2 = base + (g - 1 + _NBUF) * _K
                pltpu.make_async_copy(
                    ids_hbm.at[pl.ds(off2, _K)], idbufs[bp], sems[bp]
                ).start()
                pltpu.make_async_copy(
                    feat_hbm.at[pl.ds(off2, _K)], bufs[bp], sems[bp]
                ).start()

    def body(m, carry):
        for b in range(_NBUF):
            run_block(m * _NBUF + b, b)
        return carry

    lax.fori_loop(0, _NITER // _NBUF, body, 0)
    for gl in range((_NITER // _NBUF) * _NBUF, _NITER):
        run_block(gl, gl % _NBUF)
    bl = (_NITER - 1) % _NBUF
    pltpu.make_async_copy(bufs[bl], acc.at[idbufs[bl]], ssems[bl]).wait()
    plsc.subcore_barrier()

    @pl.when(c == 0)
    def _():
        pltpu.sync_copy(acc.at[pl.ds(r0, _RPT)], out0.at[pl.ds(r0, _RPT)])

        @pl.when(s == 0)
        def _():
            pltpu.sync_copy(
                acc.at[pl.ds(_RPT * _NS, _TAIL)], out0.at[pl.ds(_RPT * _NS, _TAIL)]
            )

    @pl.when(c == 1)
    def _():
        pltpu.sync_copy(acc.at[pl.ds(r0, _RPT)], out1.at[pl.ds(r0, _RPT)])

        @pl.when(s == 0)
        def _():
            pltpu.sync_copy(
                acc.at[pl.ds(_RPT * _NS, _TAIL)], out1.at[pl.ds(_RPT * _NS, _TAIL)]
            )


def _add_body(a_ref, b_ref, o_ref):
    o_ref[...] = a_ref[...] + b_ref[...]


_combine = pl.pallas_call(
    _add_body,
    out_shape=jax.ShapeDtypeStruct((_NSEG, _D), jnp.float32),
)

_ZEROS = np.zeros((_NSEG, _D), np.float32)


def kernel(features, segment_ids):
    p0, p1 = _sc_partials(features, segment_ids, _ZEROS)
    return _combine(p0, p1)

# --- scband reference (transcript-rebuilt; emitter-appended) ---
"""Pipeline reference for scband-graph-pool-13692355739965 (READ-ONLY COPY).

The authoritative reference and input builder live on the scoring server;
editing this copy changes nothing except your own understanding.
"""

import jax, jax.numpy as jnp
import numpy as np

NUM_SEGMENTS = 10000
N_EDGES = 320000
D_FEAT = 128


def setup_inputs(seed: int = 0) -> dict:
    key = jax.random.key(seed)
    k1, k2 = jax.random.split(key)
    features = jax.random.normal(k1, (N_EDGES, D_FEAT), dtype=jnp.float32)
    segment_ids = jnp.sort(jax.random.randint(k2, (N_EDGES,), 0, NUM_SEGMENTS, dtype=jnp.int32))
    return {"features": features, "segment_ids": segment_ids}


def reference(features, segment_ids):
    # GraphPool.forward: topology.pool(features, reduce='sum')
    # i.e. a segment-sum of per-edge/per-node features into pooled node/graph slots.
    out = jax.ops.segment_sum(features, segment_ids, num_segments=NUM_SEGMENTS)
    return out

if __name__ == "__main__":
    import jax
    _d = setup_inputs()
    print(jax.jit(kernel)(*tuple(_d.values())))

</pallas_src>

<mosaic_0001>
#map = affine_map<(d0, d1) -> (0, 0)>
#map1 = affine_map<(d0, d1) -> (0)>
module attributes {stable_mosaic.version = 14 : i64} {
  func.func @_sc_partials(%arg0: i32, %arg1: i32, %arg2: memref<320000x128xf32, #tpu.memory_space<hbm>>, %arg3: memref<320000xi32, #tpu.memory_space<hbm>>, %arg4: memref<10000x128xf32, #tpu.memory_space<hbm>>, %arg5: memref<10000x128xf32, #tpu.memory_space<hbm>>, %arg6: memref<10000x128xf32, #tpu.memory_space<hbm>>, %arg7: memref<80xi32, #tpu.memory_space<vmem>>, %arg8: memref<80xi32, #tpu.memory_space<vmem>>, %arg9: memref<80xi32, #tpu.memory_space<vmem>>, %arg10: memref<80xi32, #tpu.memory_space<vmem>>, %arg11: memref<80x128xf32, #tpu.memory_space<vmem>>, %arg12: memref<80x128xf32, #tpu.memory_space<vmem>>, %arg13: memref<80x128xf32, #tpu.memory_space<vmem>>, %arg14: memref<80x128xf32, #tpu.memory_space<vmem>>, %arg15: memref<10000x128xf32, #tpu.memory_space<vmem_shared>>, %arg16: memref<!tpu.dma_semaphore, #tpu.memory_space<semaphore_mem>>, %arg17: memref<!tpu.dma_semaphore, #tpu.memory_space<semaphore_mem>>, %arg18: memref<!tpu.dma_semaphore, #tpu.memory_space<semaphore_mem>>, %arg19: memref<!tpu.dma_semaphore, #tpu.memory_space<semaphore_mem>>, %arg20: memref<!tpu.dma_semaphore, #tpu.memory_space<semaphore_mem>>, %arg21: memref<!tpu.dma_semaphore, #tpu.memory_space<semaphore_mem>>, %arg22: memref<!tpu.dma_semaphore, #tpu.memory_space<semaphore_mem>>, %arg23: memref<!tpu.dma_semaphore, #tpu.memory_space<semaphore_mem>>) attributes {dimension_semantics = [#tpu.dimension_semantics<core_parallel>, #tpu.dimension_semantics<subcore_parallel>], iteration_bounds = array<i64: 2, 16>, scalar_prefetch = 0 : i64, scratch_operands = 17 : i64, tpu.core_type = #tpu.core_type<sc_vector_subcore>, window_params = [{transform_indices = #map}, {transform_indices = #map1}, {transform_indices = #map}, {transform_indices = #map}, {transform_indices = #map}]} {
    %mul3A = arith.constant 2 : i32
    %mul3A_0 = arith.muli %arg1, %mul3A : i32
    %add3A = arith.addi %mul3A_0, %arg0 : i32
    %mul3A_1 = arith.constant 10000 : i32
    %mul3A_2 = arith.muli %add3A, %mul3A_1 : i32
    %mul3A_3 = arith.constant 624 : i32
    %mul3A_4 = arith.muli %arg1, %mul3A_3 : i32
    %add3A_5 = arith.constant 0 : i32
    %add3A_6 = arith.addi %mul3A_2, %add3A_5 : i32
    %dma_start3A = tpu.memref_slice %arg3[%add3A_6] : memref<320000xi32, #tpu.memory_space<hbm>> -> memref<80xi32, #tpu.memory_space<hbm>>
    %dma_start3A_7 = tpu.memref_slice %arg3[%add3A_6] : memref<320000xi32, #tpu.memory_space<hbm>> -> memref<80xi32, #tpu.memory_space<hbm>>
    tpu.enqueue_dma source(%dma_start3A_7 : memref<80xi32, #tpu.memory_space<hbm>>) target(%arg7 : memref<80xi32, #tpu.memory_space<vmem>>) target_semaphore(%arg16 : memref<!tpu.dma_semaphore, #tpu.memory_space<semaphore_mem>>)
    %add3A_8 = arith.constant 0 : i32
    %add3A_9 = arith.addi %mul3A_2, %add3A_8 : i32
    %dma_start3A_10 = arith.constant 0 : i32
    %dma_start3A_11 = tpu.memref_slice %arg2[%add3A_9, %dma_start3A_10] : memref<320000x128xf32, #tpu.memory_space<hbm>> -> memref<80x128xf32, #tpu.memory_space<hbm>>
    %dma_start3A_12 = arith.constant 0 : i32
    %dma_start3A_13 = tpu.memref_slice %arg2[%add3A_9, %dma_start3A_12] : memref<320000x128xf32, #tpu.memory_space<hbm>> -> memref<80x128xf32, #tpu.memory_space<hbm>>
    tpu.enqueue_dma source(%dma_start3A_13 : memref<80x128xf32, #tpu.memory_space<hbm>>) target(%arg11 : memref<80x128xf32, #tpu.memory_space<vmem>>) target_semaphore(%arg16 : memref<!tpu.dma_semaphore, #tpu.memory_space<semaphore_mem>>)
    %add3A_14 = arith.constant 80 : i32
    %add3A_15 = arith.addi %mul3A_2, %add3A_14 : i32
    %dma_start3A_16 = tpu.memref_slice %arg3[%add3A_15] : memref<320000xi32, #tpu.memory_space<hbm>> -> memref<80xi32, #tpu.memory_space<hbm>>
    %dma_start3A_17 = tpu.memref_slice %arg3[%add3A_15] : memref<320000xi32, #tpu.memory_space<hbm>> -> memref<80xi32, #tpu.memory_space<hbm>>
    tpu.enqueue_dma source(%dma_start3A_17 : memref<80xi32, #tpu.memory_space<hbm>>) target(%arg8 : memref<80xi32, #tpu.memory_space<vmem>>) target_semaphore(%arg17 : memref<!tpu.dma_semaphore, #tpu.memory_space<semaphore_mem>>)
    %add3A_18 = arith.constant 80 : i32
    %add3A_19 = arith.addi %mul3A_2, %add3A_18 : i32
    %dma_start3A_20 = arith.constant 0 : i32
    %dma_start3A_21 = tpu.memref_slice %arg2[%add3A_19, %dma_start3A_20] : memref<320000x128xf32, #tpu.memory_space<hbm>> -> memref<80x128xf32, #tpu.memory_space<hbm>>
    %dma_start3A_22 = arith.constant 0 : i32
    %dma_start3A_23 = tpu.memref_slice %arg2[%add3A_19, %dma_start3A_22] : memref<320000x128xf32, #tpu.memory_space<hbm>> -> memref<80x128xf32, #tpu.memory_space<hbm>>
    tpu.enqueue_dma source(%dma_start3A_23 : memref<80x128xf32, #tpu.memory_space<hbm>>) target(%arg12 : memref<80x128xf32, #tpu.memory_space<vmem>>) target_semaphore(%arg17 : memref<!tpu.dma_semaphore, #tpu.memory_space<semaphore_mem>>)
    %add3A_24 = arith.constant 160 : i32
    %add3A_25 = arith.addi %mul3A_2, %add3A_24 : i32
    %dma_start3A_26 = tpu.memref_slice %arg3[%add3A_25] : memref<320000xi32, #tpu.memory_space<hbm>> -> memref<80xi32, #tpu.memory_space<hbm>>
    %dma_start3A_27 = tpu.memref_slice %arg3[%add3A_25] : memref<320000xi32, #tpu.memory_space<hbm>> -> memref<80xi32, #tpu.memory_space<hbm>>
    tpu.enqueue_dma source(%dma_start3A_27 : memref<80xi32, #tpu.memory_space<hbm>>) target(%arg9 : memref<80xi32, #tpu.memory_space<vmem>>) target_semaphore(%arg18 : memref<!tpu.dma_semaphore, #tpu.memory_space<semaphore_mem>>)
    %add3A_28 = arith.constant 160 : i32
    %add3A_29 = arith.addi %mul3A_2, %add3A_28 : i32
    %dma_start3A_30 = arith.constant 0 : i32
    %dma_start3A_31 = tpu.memref_slice %arg2[%add3A_29, %dma_start3A_30] : memref<320000x128xf32, #tpu.memory_space<hbm>> -> memref<80x128xf32, #tpu.memory_space<hbm>>
    %dma_start3A_32 = arith.constant 0 : i32
    %dma_start3A_33 = tpu.memref_slice %arg2[%add3A_29, %dma_start3A_32] : memref<320000x128xf32, #tpu.memory_space<hbm>> -> memref<80x128xf32, #tpu.memory_space<hbm>>
    tpu.enqueue_dma source(%dma_start3A_33 : memref<80x128xf32, #tpu.memory_space<hbm>>) target(%arg13 : memref<80x128xf32, #tpu.memory_space<vmem>>) target_semaphore(%arg18 : memref<!tpu.dma_semaphore, #tpu.memory_space<semaphore_mem>>)
    %add3A_34 = arith.constant 240 : i32
    %add3A_35 = arith.addi %mul3A_2, %add3A_34 : i32
    %dma_start3A_36 = tpu.memref_slice %arg3[%add3A_35] : memref<320000xi32, #tpu.memory_space<hbm>> -> memref<80xi32, #tpu.memory_space<hbm>>
    %dma_start3A_37 = tpu.memref_slice %arg3[%add3A_35] : memref<320000xi32, #tpu.memory_space<hbm>> -> memref<80xi32, #tpu.memory_space<hbm>>
    tpu.enqueue_dma source(%dma_start3A_37 : memref<80xi32, #tpu.memory_space<hbm>>) target(%arg10 : memref<80xi32, #tpu.memory_space<vmem>>) target_semaphore(%arg19 : memref<!tpu.dma_semaphore, #tpu.memory_space<semaphore_mem>>)
    %add3A_38 = arith.constant 240 : i32
    %add3A_39 = arith.addi %mul3A_2, %add3A_38 : i32
    %dma_start3A_40 = arith.constant 0 : i32
    %dma_start3A_41 = tpu.memref_slice %arg2[%add3A_39, %dma_start3A_40] : memref<320000x128xf32, #tpu.memory_space<hbm>> -> memref<80x128xf32, #tpu.memory_space<hbm>>
    %dma_start3A_42 = arith.constant 0 : i32
    %dma_start3A_43 = tpu.memref_slice %arg2[%add3A_39, %dma_start3A_42] : memref<320000x128xf32, #tpu.memory_space<hbm>> -> memref<80x128xf32, #tpu.memory_space<hbm>>
    tpu.enqueue_dma source(%dma_start3A_43 : memref<80x128xf32, #tpu.memory_space<hbm>>) target(%arg14 : memref<80x128xf32, #tpu.memory_space<vmem>>) target_semaphore(%arg19 : memref<!tpu.dma_semaphore, #tpu.memory_space<semaphore_mem>>)
    "tpu.region"() ({
      %run_scoped3A = tpu.sem_alloc : memref<!tpu.dma_semaphore, #tpu.memory_space<semaphore_mem>>
      %dma_start3A_78 = arith.constant 0 : i32
      %dma_start3A_79 = tpu.memref_slice %arg15[%mul3A_4, %dma_start3A_78] : memref<10000x128xf32, #tpu.memory_space<vmem_shared>> -> memref<624x128xf32, #tpu.memory_space<vmem_shared>>
      %dma_start3A_80 = arith.constant 0 : i32
      %dma_start3A_81 = tpu.memref_slice %arg4[%mul3A_4, %dma_start3A_80] : memref<10000x128xf32, #tpu.memory_space<hbm>> -> memref<624x128xf32, #tpu.memory_space<hbm>>
      tpu.enqueue_dma source(%dma_start3A_81 : memref<624x128xf32, #tpu.memory_space<hbm>>) target(%dma_start3A_79 : memref<624x128xf32, #tpu.memory_space<vmem_shared>>) target_semaphore(%run_scoped3A : memref<!tpu.dma_semaphore, #tpu.memory_space<semaphore_mem>>)
      %dma_wait3A_82 = arith.constant 0 : i32
      %dma_wait3A_83 = tpu.memref_slice %arg15[%mul3A_4, %dma_wait3A_82] : memref<10000x128xf32, #tpu.memory_space<vmem_shared>> -> memref<624x128xf32, #tpu.memory_space<vmem_shared>>
      %dma_wait3A_84 = arith.constant 0 : i32
      %dma_wait3A_85 = tpu.memref_slice %arg4[%mul3A_4, %dma_wait3A_84] : memref<10000x128xf32, #tpu.memory_space<hbm>> -> memref<624x128xf32, #tpu.memory_space<hbm>>
      tpu.wait_dma2 semaphore(%run_scoped3A : memref<!tpu.dma_semaphore, #tpu.memory_space<semaphore_mem>>) src(%dma_wait3A_85 : memref<624x128xf32, #tpu.memory_space<hbm>>) dst(%dma_wait3A_83 : memref<624x128xf32, #tpu.memory_space<vmem_shared>>)
      tpu.yield
    }) : () -> ()
    %eq3A = arith.constant 0 : i32
    %eq3A_44 = arith.cmpi eq, %arg1, %eq3A : i32
    %convert_element_type3A = arith.extui %eq3A_44 : i1 to i32
    %cond3A = arith.constant 0 : i32
    %cond3A_45 = arith.cmpi ne, %convert_element_type3A, %cond3A : i32
    scf.if %cond3A_45 {
      "tpu.region"() ({
        %run_scoped3A = tpu.sem_alloc : memref<!tpu.dma_semaphore, #tpu.memory_space<semaphore_mem>>
        %dma_start3A_78 = arith.constant 9984 : i32
        %dma_start3A_79 = arith.constant 0 : i32
        %dma_start3A_80 = tpu.memref_slice %arg15[%dma_start3A_78, %dma_start3A_79] : memref<10000x128xf32, #tpu.memory_space<vmem_shared>> -> memref<16x128xf32, #tpu.memory_space<vmem_shared>>
        %dma_start3A_81 = arith.constant 9984 : i32
        %dma_start3A_82 = arith.constant 0 : i32
        %dma_start3A_83 = tpu.memref_slice %arg4[%dma_start3A_81, %dma_start3A_82] : memref<10000x128xf32, #tpu.memory_space<hbm>> -> memref<16x128xf32, #tpu.memory_space<hbm>>
        tpu.enqueue_dma source(%dma_start3A_83 : memref<16x128xf32, #tpu.memory_space<hbm>>) target(%dma_start3A_80 : memref<16x128xf32, #tpu.memory_space<vmem_shared>>) target_semaphore(%run_scoped3A : memref<!tpu.dma_semaphore, #tpu.memory_space<semaphore_mem>>)
        %dma_wait3A_84 = arith.constant 9984 : i32
        %dma_wait3A_85 = arith.constant 0 : i32
        %dma_wait3A_86 = tpu.memref_slice %arg15[%dma_wait3A_84, %dma_wait3A_85] : memref<10000x128xf32, #tpu.memory_space<vmem_shared>> -> memref<16x128xf32, #tpu.memory_space<vmem_shared>>
        %dma_wait3A_87 = arith.constant 9984 : i32
        %dma_wait3A_88 = arith.constant 0 : i32
        %dma_wait3A_89 = tpu.memref_slice %arg4[%dma_wait3A_87, %dma_wait3A_88] : memref<10000x128xf32, #tpu.memory_space<hbm>> -> memref<16x128xf32, #tpu.memory_space<hbm>>
        tpu.wait_dma2 semaphore(%run_scoped3A : memref<!tpu.dma_semaphore, #tpu.memory_space<semaphore_mem>>) src(%dma_wait3A_89 : memref<16x128xf32, #tpu.memory_space<hbm>>) dst(%dma_wait3A_86 : memref<16x128xf32, #tpu.memory_space<vmem_shared>>)
        tpu.yield
      }) : () -> ()
    } else {
    }
    %barrier3A = arith.constant 0 : index
    tpu.barrier barrier_id(%barrier3A)
    %scan3A = arith.constant 0 : i32
    %scan3A_46 = arith.constant 0 : i32
    %scan3A_47 = arith.constant 31 : i32
    %scan3A_48 = arith.addi %scan3A_46, %scan3A_47 : i32
    %scan3A_49 = arith.constant 1 : i32
    scf.for %scan3A_78 = %scan3A_46 to %scan3A_48 step %scan3A_49  : i32 {
      %mul3A_79 = arith.constant 4 : i32
      %mul3A_80 = arith.muli %scan3A_78, %mul3A_79 : i32
      %add3A_81 = arith.constant 0 : i32
      %add3A_82 = arith.addi %mul3A_80, %add3A_81 : i32
      %mul3A_83 = arith.constant 80 : i32
      %mul3A_84 = arith.muli %add3A_82, %mul3A_83 : i32
      %add3A_85 = arith.addi %mul3A_2, %mul3A_84 : i32
      %dma_wait3A_86 = tpu.memref_slice %arg3[%add3A_85] : memref<320000xi32, #tpu.memory_space<hbm>> -> memref<80xi32, #tpu.memory_space<hbm>>
      %dma_wait3A_87 = tpu.memref_slice %arg3[%add3A_85] : memref<320000xi32, #tpu.memory_space<hbm>> -> memref<80xi32, #tpu.memory_space<hbm>>
      tpu.wait_dma2 semaphore(%arg16 : memref<!tpu.dma_semaphore, #tpu.memory_space<semaphore_mem>>) src(%dma_wait3A_87 : memref<80xi32, #tpu.memory_space<hbm>>) dst(%arg7 : memref<80xi32, #tpu.memory_space<vmem>>)
      %dma_wait3A_88 = arith.constant 0 : i32
      %dma_wait3A_89 = tpu.memref_slice %arg2[%add3A_85, %dma_wait3A_88] : memref<320000x128xf32, #tpu.memory_space<hbm>> -> memref<80x128xf32, #tpu.memory_space<hbm>>
      %dma_wait3A_90 = arith.constant 0 : i32
      %dma_wait3A_91 = tpu.memref_slice %arg2[%add3A_85, %dma_wait3A_90] : memref<320000x128xf32, #tpu.memory_space<hbm>> -> memref<80x128xf32, #tpu.memory_space<hbm>>
      tpu.wait_dma2 semaphore(%arg16 : memref<!tpu.dma_semaphore, #tpu.memory_space<semaphore_mem>>) src(%dma_wait3A_91 : memref<80x128xf32, #tpu.memory_space<hbm>>) dst(%arg11 : memref<80x128xf32, #tpu.memory_space<vmem>>)
      %dma_start3A_92 = arith.constant 0 : i32
      %dma_start3A_93 = arith.constant 0 : i32
      %dma_start3A_94 = tpu.memref_slice %arg15[%dma_start3A_92, %dma_start3A_93] : memref<10000x128xf32, #tpu.memory_space<vmem_shared>> -> memref<10000x128xf32, #tpu.memory_space<vmem_shared>>
      tpu.enqueue_indirect_dma source(%arg11 : memref<80x128xf32, #tpu.memory_space<vmem>>) target(%dma_start3A_94 : memref<10000x128xf32, #tpu.memory_space<vmem_shared>>) offsets(%arg7 : memref<80xi32, #tpu.memory_space<vmem>>) semaphore(%arg20 : memref<!tpu.dma_semaphore, #tpu.memory_space<semaphore_mem>>) {add = true}
      %ge3A = arith.constant 1 : i32
      %ge3A_95 = arith.cmpi sge, %add3A_82, %ge3A : i32
      %convert_element_type3A_96 = arith.extui %ge3A_95 : i1 to i32
      %cond3A_97 = arith.constant 0 : i32
      %cond3A_98 = arith.cmpi ne, %convert_element_type3A_96, %cond3A_97 : i32
      scf.if %cond3A_98 {
        %dma_wait3A_162 = arith.constant 0 : i32
        %dma_wait3A_163 = arith.constant 0 : i32
        %dma_wait3A_164 = tpu.memref_slice %arg15[%dma_wait3A_162, %dma_wait3A_163] : memref<10000x128xf32, #tpu.memory_space<vmem_shared>> -> memref<10000x128xf32, #tpu.memory_space<vmem_shared>>
        tpu.wait_indirect_dma semaphore(%arg23 : memref<!tpu.dma_semaphore, #tpu.memory_space<semaphore_mem>>) src(%arg14 : memref<80x128xf32, #tpu.memory_space<vmem>>) dst(%dma_wait3A_164 : memref<10000x128xf32, #tpu.memory_space<vmem_shared>>)
        %sub3A = arith.constant 1 : i32
        %sub3A_165 = arith.subi %add3A_82, %sub3A : i32
        %add3A_166 = arith.constant 4 : i32
        %add3A_167 = arith.addi %sub3A_165, %add3A_166 : i32
        %lt3A = arith.constant 125 : i32
        %lt3A_168 = arith.cmpi slt, %add3A_167, %lt3A : i32
        %convert_element_type3A_169 = arith.extui %lt3A_168 : i1 to i32
        %cond3A_170 = arith.constant 0 : i32
        %cond3A_171 = arith.cmpi ne, %convert_element_type3A_169, %cond3A_170 : i32
        scf.if %cond3A_171 {
          %sub3A_172 = arith.constant 1 : i32
          %sub3A_173 = arith.subi %add3A_82, %sub3A_172 : i32
          %add3A_174 = arith.constant 4 : i32
          %add3A_175 = arith.addi %sub3A_173, %add3A_174 : i32
          %mul3A_176 = arith.constant 80 : i32
          %mul3A_177 = arith.muli %add3A_175, %mul3A_176 : i32
          %add3A_178 = arith.addi %mul3A_2, %mul3A_177 : i32
          %dma_start3A_179 = tpu.memref_slice %arg3[%add3A_178] : memref<320000xi32, #tpu.memory_space<hbm>> -> memref<80xi32, #tpu.memory_space<hbm>>
          %dma_start3A_180 = tpu.memref_slice %arg3[%add3A_178] : memref<320000xi32, #tpu.memory_space<hbm>> -> memref<80xi32, #tpu.memory_space<hbm>>
          tpu.enqueue_dma source(%dma_start3A_180 : memref<80xi32, #tpu.memory_space<hbm>>) target(%arg10 : memref<80xi32, #tpu.memory_space<vmem>>) target_semaphore(%arg19 : memref<!tpu.dma_semaphore, #tpu.memory_space<semaphore_mem>>)
          %dma_start3A_181 = arith.constant 0 : i32
          %dma_start3A_182 = tpu.memref_slice %arg2[%add3A_178, %dma_start3A_181] : memref<320000x128xf32, #tpu.memory_space<hbm>> -> memref<80x128xf32, #tpu.memory_space<hbm>>
          %dma_start3A_183 = arith.constant 0 : i32
          %dma_start3A_184 = tpu.memref_slice %arg2[%add3A_178, %dma_start3A_183] : memref<320000x128xf32, #tpu.memory_space<hbm>> -> memref<80x128xf32, #tpu.memory_space<hbm>>
          tpu.enqueue_dma source(%dma_start3A_184 : memref<80x128xf32, #tpu.memory_space<hbm>>) target(%arg14 : memref<80x128xf32, #tpu.memory_space<vmem>>) target_semaphore(%arg19 : memref<!tpu.dma_semaphore, #tpu.memory_space<semaphore_mem>>)
        } else {
        }
      } else {
      }
      %mul3A_99 = arith.constant 4 : i32
      %mul3A_100 = arith.muli %scan3A_78, %mul3A_99 : i32
      %add3A_101 = arith.constant 1 : i32
      %add3A_102 = arith.addi %mul3A_100, %add3A_101 : i32
      %mul3A_103 = arith.constant 80 : i32
      %mul3A_104 = arith.muli %add3A_102, %mul3A_103 : i32
      %add3A_105 = arith.addi %mul3A_2, %mul3A_104 : i32
      %dma_wait3A_106 = tpu.memref_slice %arg3[%add3A_105] : memref<320000xi32, #tpu.memory_space<hbm>> -> memref<80xi32, #tpu.memory_space<hbm>>
      %dma_wait3A_107 = tpu.memref_slice %arg3[%add3A_105] : memref<320000xi32, #tpu.memory_space<hbm>> -> memref<80xi32, #tpu.memory_space<hbm>>
      tpu.wait_dma2 semaphore(%arg17 : memref<!tpu.dma_semaphore, #tpu.memory_space<semaphore_mem>>) src(%dma_wait3A_107 : memref<80xi32, #tpu.memory_space<hbm>>) dst(%arg8 : memref<80xi32, #tpu.memory_space<vmem>>)
      %dma_wait3A_108 = arith.constant 0 : i32
      %dma_wait3A_109 = tpu.memref_slice %arg2[%add3A_105, %dma_wait3A_108] : memref<320000x128xf32, #tpu.memory_space<hbm>> -> memref<80x128xf32, #tpu.memory_space<hbm>>
      %dma_wait3A_110 = arith.constant 0 : i32
      %dma_wait3A_111 = tpu.memref_slice %arg2[%add3A_105, %dma_wait3A_110] : memref<320000x128xf32, #tpu.memory_space<hbm>> -> memref<80x128xf32, #tpu.memory_space<hbm>>
      tpu.wait_dma2 semaphore(%arg17 : memref<!tpu.dma_semaphore, #tpu.memory_space<semaphore_mem>>) src(%dma_wait3A_111 : memref<80x128xf32, #tpu.memory_space<hbm>>) dst(%arg12 : memref<80x128xf32, #tpu.memory_space<vmem>>)
      %dma_start3A_112 = arith.constant 0 : i32
      %dma_start3A_113 = arith.constant 0 : i32
      %dma_start3A_114 = tpu.memref_slice %arg15[%dma_start3A_112, %dma_start3A_113] : memref<10000x128xf32, #tpu.memory_space<vmem_shared>> -> memref<10000x128xf32, #tpu.memory_space<vmem_shared>>
      tpu.enqueue_indirect_dma source(%arg12 : memref<80x128xf32, #tpu.memory_space<vmem>>) target(%dma_start3A_114 : memref<10000x128xf32, #tpu.memory_space<vmem_shared>>) offsets(%arg8 : memref<80xi32, #tpu.memory_space<vmem>>) semaphore(%arg21 : memref<!tpu.dma_semaphore, #tpu.memory_space<semaphore_mem>>) {add = true}
      %ge3A_115 = arith.constant 1 : i32
      %ge3A_116 = arith.cmpi sge, %add3A_102, %ge3A_115 : i32
      %convert_element_type3A_117 = arith.extui %ge3A_116 : i1 to i32
      %cond3A_118 = arith.constant 0 : i32
      %cond3A_119 = arith.cmpi ne, %convert_element_type3A_117, %cond3A_118 : i32
      scf.if %cond3A_119 {
        %dma_wait3A_162 = arith.constant 0 : i32
        %dma_wait3A_163 = arith.constant 0 : i32
        %dma_wait3A_164 = tpu.memref_slice %arg15[%dma_wait3A_162, %dma_wait3A_163] : memref<10000x128xf32, #tpu.memory_space<vmem_shared>> -> memref<10000x128xf32, #tpu.memory_space<vmem_shared>>
        tpu.wait_indirect_dma semaphore(%arg20 : memref<!tpu.dma_semaphore, #tpu.memory_space<semaphore_mem>>) src(%arg11 : memref<80x128xf32, #tpu.memory_space<vmem>>) dst(%dma_wait3A_164 : memref<10000x128xf32, #tpu.memory_space<vmem_shared>>)
        %sub3A = arith.constant 1 : i32
        %sub3A_165 = arith.subi %add3A_102, %sub3A : i32
        %add3A_166 = arith.constant 4 : i32
        %add3A_167 = arith.addi %sub3A_165, %add3A_166 : i32
        %lt3A = arith.constant 125 : i32
        %lt3A_168 = arith.cmpi slt, %add3A_167, %lt3A : i32
        %convert_element_type3A_169 = arith.extui %lt3A_168 : i1 to i32
        %cond3A_170 = arith.constant 0 : i32
        %cond3A_171 = arith.cmpi ne, %convert_element_type3A_169, %cond3A_170 : i32
        scf.if %cond3A_171 {
          %sub3A_172 = arith.constant 1 : i32
          %sub3A_173 = arith.subi %add3A_102, %sub3A_172 : i32
          %add3A_174 = arith.constant 4 : i32
          %add3A_175 = arith.addi %sub3A_173, %add3A_174 : i32
          %mul3A_176 = arith.constant 80 : i32
          %mul3A_177 = arith.muli %add3A_175, %mul3A_176 : i32
          %add3A_178 = arith.addi %mul3A_2, %mul3A_177 : i32
          %dma_start3A_179 = tpu.memref_slice %arg3[%add3A_178] : memref<320000xi32, #tpu.memory_space<hbm>> -> memref<80xi32, #tpu.memory_space<hbm>>
          %dma_start3A_180 = tpu.memref_slice %arg3[%add3A_178] : memref<320000xi32, #tpu.memory_space<hbm>> -> memref<80xi32, #tpu.memory_space<hbm>>
          tpu.enqueue_dma source(%dma_start3A_180 : memref<80xi32, #tpu.memory_space<hbm>>) target(%arg7 : memref<80xi32, #tpu.memory_space<vmem>>) target_semaphore(%arg16 : memref<!tpu.dma_semaphore, #tpu.memory_space<semaphore_mem>>)
          %dma_start3A_181 = arith.constant 0 : i32
          %dma_start3A_182 = tpu.memref_slice %arg2[%add3A_178, %dma_start3A_181] : memref<320000x128xf32, #tpu.memory_space<hbm>> -> memref<80x128xf32, #tpu.memory_space<hbm>>
          %dma_start3A_183 = arith.constant 0 : i32
          %dma_start3A_184 = tpu.memref_slice %arg2[%add3A_178, %dma_start3A_183] : memref<320000x128xf32, #tpu.memory_space<hbm>> -> memref<80x128xf32, #tpu.memory_space<hbm>>
          tpu.enqueue_dma source(%dma_start3A_184 : memref<80x128xf32, #tpu.memory_space<hbm>>) target(%arg11 : memref<80x128xf32, #tpu.memory_space<vmem>>) target_semaphore(%arg16 : memref<!tpu.dma_semaphore, #tpu.memory_space<semaphore_mem>>)
        } else {
        }
      } else {
      }
      %mul3A_120 = arith.constant 4 : i32
      %mul3A_121 = arith.muli %scan3A_78, %mul3A_120 : i32
      %add3A_122 = arith.constant 2 : i32
      %add3A_123 = arith.addi %mul3A_121, %add3A_122 : i32
      %mul3A_124 = arith.constant 80 : i32
      %mul3A_125 = arith.muli %add3A_123, %mul3A_124 : i32
      %add3A_126 = arith.addi %mul3A_2, %mul3A_125 : i32
      %dma_wait3A_127 = tpu.memref_slice %arg3[%add3A_126] : memref<320000xi32, #tpu.memory_space<hbm>> -> memref<80xi32, #tpu.memory_space<hbm>>
      %dma_wait3A_128 = tpu.memref_slice %arg3[%add3A_126] : memref<320000xi32, #tpu.memory_space<hbm>> -> memref<80xi32, #tpu.memory_space<hbm>>
      tpu.wait_dma2 semaphore(%arg18 : memref<!tpu.dma_semaphore, #tpu.memory_space<semaphore_mem>>) src(%dma_wait3A_128 : memref<80xi32, #tpu.memory_space<hbm>>) dst(%arg9 : memref<80xi32, #tpu.memory_space<vmem>>)
      %dma_wait3A_129 = arith.constant 0 : i32
      %dma_wait3A_130 = tpu.memref_slice %arg2[%add3A_126, %dma_wait3A_129] : memref<320000x128xf32, #tpu.memory_space<hbm>> -> memref<80x128xf32, #tpu.memory_space<hbm>>
      %dma_wait3A_131 = arith.constant 0 : i32
      %dma_wait3A_132 = tpu.memref_slice %arg2[%add3A_126, %dma_wait3A_131] : memref<320000x128xf32, #tpu.memory_space<hbm>> -> memref<80x128xf32, #tpu.memory_space<hbm>>
      tpu.wait_dma2 semaphore(%arg18 : memref<!tpu.dma_semaphore, #tpu.memory_space<semaphore_mem>>) src(%dma_wait3A_132 : memref<80x128xf32, #tpu.memory_space<hbm>>) dst(%arg13 : memref<80x128xf32, #tpu.memory_space<vmem>>)
      %dma_start3A_133 = arith.constant 0 : i32
      %dma_start3A_134 = arith.constant 0 : i32
      %dma_start3A_135 = tpu.memref_slice %arg15[%dma_start3A_133, %dma_start3A_134] : memref<10000x128xf32, #tpu.memory_space<vmem_shared>> -> memref<10000x128xf32, #tpu.memory_space<vmem_shared>>
      tpu.enqueue_indirect_dma source(%arg13 : memref<80x128xf32, #tpu.memory_space<vmem>>) target(%dma_start3A_135 : memref<10000x128xf32, #tpu.memory_space<vmem_shared>>) offsets(%arg9 : memref<80xi32, #tpu.memory_space<vmem>>) semaphore(%arg22 : memref<!tpu.dma_semaphore, #tpu.memory_space<semaphore_mem>>) {add = true}
      %ge3A_136 = arith.constant 1 : i32
      %ge3A_137 = arith.cmpi sge, %add3A_123, %ge3A_136 : i32
      %convert_element_type3A_138 = arith.extui %ge3A_137 : i1 to i32
      %cond3A_139 = arith.constant 0 : i32
      %cond3A_140 = arith.cmpi ne, %convert_element_type3A_138, %cond3A_139 : i32
      scf.if %cond3A_140 {
        %dma_wait3A_162 = arith.constant 0 : i32
        %dma_wait3A_163 = arith.constant 0 : i32
        %dma_wait3A_164 = tpu.memref_slice %arg15[%dma_wait3A_162, %dma_wait3A_163] : memref<10000x128xf32, #tpu.memory_space<vmem_shared>> -> memref<10000x128xf32, #tpu.memory_space<vmem_shared>>
        tpu.wait_indirect_dma semaphore(%arg21 : memref<!tpu.dma_semaphore, #tpu.memory_space<semaphore_mem>>) src(%arg12 : memref<80x128xf32, #tpu.memory_space<vmem>>) dst(%dma_wait3A_164 : memref<10000x128xf32, #tpu.memory_space<vmem_shared>>)
        %sub3A = arith.constant 1 : i32
        %sub3A_165 = arith.subi %add3A_123, %sub3A : i32
        %add3A_166 = arith.constant 4 : i32
        %add3A_167 = arith.addi %sub3A_165, %add3A_166 : i32
        %lt3A = arith.constant 125 : i32
        %lt3A_168 = arith.cmpi slt, %add3A_167, %lt3A : i32
        %convert_element_type3A_169 = arith.extui %lt3A_168 : i1 to i32
        %cond3A_170 = arith.constant 0 : i32
        %cond3A_171 = arith.cmpi ne, %convert_element_type3A_169, %cond3A_170 : i32
        scf.if %cond3A_171 {
          %sub3A_172 = arith.constant 1 : i32
          %sub3A_173 = arith.subi %add3A_123, %sub3A_172 : i32
          %add3A_174 = arith.constant 4 : i32
          %add3A_175 = arith.addi %sub3A_173, %add3A_174 : i32
          %mul3A_176 = arith.constant 80 : i32
          %mul3A_177 = arith.muli %add3A_175, %mul3A_176 : i32
          %add3A_178 = arith.addi %mul3A_2, %mul3A_177 : i32
          %dma_start3A_179 = tpu.memref_slice %arg3[%add3A_178] : memref<320000xi32, #tpu.memory_space<hbm>> -> memref<80xi32, #tpu.memory_space<hbm>>
          %dma_start3A_180 = tpu.memref_slice %arg3[%add3A_178] : memref<320000xi32, #tpu.memory_space<hbm>> -> memref<80xi32, #tpu.memory_space<hbm>>
          tpu.enqueue_dma source(%dma_start3A_180 : memref<80xi32, #tpu.memory_space<hbm>>) target(%arg8 : memref<80xi32, #tpu.memory_space<vmem>>) target_semaphore(%arg17 : memref<!tpu.dma_semaphore, #tpu.memory_space<semaphore_mem>>)
          %dma_start3A_181 = arith.constant 0 : i32
          %dma_start3A_182 = tpu.memref_slice %arg2[%add3A_178, %dma_start3A_181] : memref<320000x128xf32, #tpu.memory_space<hbm>> -> memref<80x128xf32, #tpu.memory_space<hbm>>
          %dma_start3A_183 = arith.constant 0 : i32
          %dma_start3A_184 = tpu.memref_slice %arg2[%add3A_178, %dma_start3A_183] : memref<320000x128xf32, #tpu.memory_space<hbm>> -> memref<80x128xf32, #tpu.memory_space<hbm>>
          tpu.enqueue_dma source(%dma_start3A_184 : memref<80x128xf32, #tpu.memory_space<hbm>>) target(%arg12 : memref<80x128xf32, #tpu.memory_space<vmem>>) target_semaphore(%arg17 : memref<!tpu.dma_semaphore, #tpu.memory_space<semaphore_mem>>)
        } else {
        }
      } else {
      }
      %mul3A_141 = arith.constant 4 : i32
      %mul3A_142 = arith.muli %scan3A_78, %mul3A_141 : i32
      %add3A_143 = arith.constant 3 : i32
      %add3A_144 = arith.addi %mul3A_142, %add3A_143 : i32
      %mul3A_145 = arith.constant 80 : i32
      %mul3A_146 = arith.muli %add3A_144, %mul3A_145 : i32
      %add3A_147 = arith.addi %mul3A_2, %mul3A_146 : i32
      %dma_wait3A_148 = tpu.memref_slice %arg3[%add3A_147] : memref<320000xi32, #tpu.memory_space<hbm>> -> memref<80xi32, #tpu.memory_space<hbm>>
      %dma_wait3A_149 = tpu.memref_slice %arg3[%add3A_147] : memref<320000xi32, #tpu.memory_space<hbm>> -> memref<80xi32, #tpu.memory_space<hbm>>
      tpu.wait_dma2 semaphore(%arg19 : memref<!tpu.dma_semaphore, #tpu.memory_space<semaphore_mem>>) src(%dma_wait3A_149 : memref<80xi32, #tpu.memory_space<hbm>>) dst(%arg10 : memref<80xi32, #tpu.memory_space<vmem>>)
      %dma_wait3A_150 = arith.constant 0 : i32
      %dma_wait3A_151 = tpu.memref_slice %arg2[%add3A_147, %dma_wait3A_150] : memref<320000x128xf32, #tpu.memory_space<hbm>> -> memref<80x128xf32, #tpu.memory_space<hbm>>
      %dma_wait3A_152 = arith.constant 0 : i32
      %dma_wait3A_153 = tpu.memref_slice %arg2[%add3A_147, %dma_wait3A_152] : memref<320000x128xf32, #tpu.memory_space<hbm>> -> memref<80x128xf32, #tpu.memory_space<hbm>>
      tpu.wait_dma2 semaphore(%arg19 : memref<!tpu.dma_semaphore, #tpu.memory_space<semaphore_mem>>) src(%dma_wait3A_153 : memref<80x128xf32, #tpu.memory_space<hbm>>) dst(%arg14 : memref<80x128xf32, #tpu.memory_space<vmem>>)
      %dma_start3A_154 = arith.constant 0 : i32
      %dma_start3A_155 = arith.constant 0 : i32
      %dma_start3A_156 = tpu.memref_slice %arg15[%dma_start3A_154, %dma_start3A_155] : memref<10000x128xf32, #tpu.memory_space<vmem_shared>> -> memref<10000x128xf32, #tpu.memory_space<vmem_shared>>
      tpu.enqueue_indirect_dma source(%arg14 : memref<80x128xf32, #tpu.memory_space<vmem>>) target(%dma_start3A_156 : memref<10000x128xf32, #tpu.memory_space<vmem_shared>>) offsets(%arg10 : memref<80xi32, #tpu.memory_space<vmem>>) semaphore(%arg23 : memref<!tpu.dma_semaphore, #tpu.memory_space<semaphore_mem>>) {add = true}
      %ge3A_157 = arith.constant 1 : i32
      %ge3A_158 = arith.cmpi sge, %add3A_144, %ge3A_157 : i32
      %convert_element_type3A_159 = arith.extui %ge3A_158 : i1 to i32
      %cond3A_160 = arith.constant 0 : i32
      %cond3A_161 = arith.cmpi ne, %convert_element_type3A_159, %cond3A_160 : i32
      scf.if %cond3A_161 {
        %dma_wait3A_162 = arith.constant 0 : i32
        %dma_wait3A_163 = arith.constant 0 : i32
        %dma_wait3A_164 = tpu.memref_slice %arg15[%dma_wait3A_162, %dma_wait3A_163] : memref<10000x128xf32, #tpu.memory_space<vmem_shared>> -> memref<10000x128xf32, #tpu.memory_space<vmem_shared>>
        tpu.wait_indirect_dma semaphore(%arg22 : memref<!tpu.dma_semaphore, #tpu.memory_space<semaphore_mem>>) src(%arg13 : memref<80x128xf32, #tpu.memory_space<vmem>>) dst(%dma_wait3A_164 : memref<10000x128xf32, #tpu.memory_space<vmem_shared>>)
        %sub3A = arith.constant 1 : i32
        %sub3A_165 = arith.subi %add3A_144, %sub3A : i32
        %add3A_166 = arith.constant 4 : i32
        %add3A_167 = arith.addi %sub3A_165, %add3A_166 : i32
        %lt3A = arith.constant 125 : i32
        %lt3A_168 = arith.cmpi slt, %add3A_167, %lt3A : i32
        %convert_element_type3A_169 = arith.extui %lt3A_168 : i1 to i32
        %cond3A_170 = arith.constant 0 : i32
        %cond3A_171 = arith.cmpi ne, %convert_element_type3A_169, %cond3A_170 : i32
        scf.if %cond3A_171 {
          %sub3A_172 = arith.constant 1 : i32
          %sub3A_173 = arith.subi %add3A_144, %sub3A_172 : i32
          %add3A_174 = arith.constant 4 : i32
          %add3A_175 = arith.addi %sub3A_173, %add3A_174 : i32
          %mul3A_176 = arith.constant 80 : i32
          %mul3A_177 = arith.muli %add3A_175, %mul3A_176 : i32
          %add3A_178 = arith.addi %mul3A_2, %mul3A_177 : i32
          %dma_start3A_179 = tpu.memref_slice %arg3[%add3A_178] : memref<320000xi32, #tpu.memory_space<hbm>> -> memref<80xi32, #tpu.memory_space<hbm>>
          %dma_start3A_180 = tpu.memref_slice %arg3[%add3A_178] : memref<320000xi32, #tpu.memory_space<hbm>> -> memref<80xi32, #tpu.memory_space<hbm>>
          tpu.enqueue_dma source(%dma_start3A_180 : memref<80xi32, #tpu.memory_space<hbm>>) target(%arg9 : memref<80xi32, #tpu.memory_space<vmem>>) target_semaphore(%arg18 : memref<!tpu.dma_semaphore, #tpu.memory_space<semaphore_mem>>)
          %dma_start3A_181 = arith.constant 0 : i32
          %dma_start3A_182 = tpu.memref_slice %arg2[%add3A_178, %dma_start3A_181] : memref<320000x128xf32, #tpu.memory_space<hbm>> -> memref<80x128xf32, #tpu.memory_space<hbm>>
          %dma_start3A_183 = arith.constant 0 : i32
          %dma_start3A_184 = tpu.memref_slice %arg2[%add3A_178, %dma_start3A_183] : memref<320000x128xf32, #tpu.memory_space<hbm>> -> memref<80x128xf32, #tpu.memory_space<hbm>>
          tpu.enqueue_dma source(%dma_start3A_184 : memref<80x128xf32, #tpu.memory_space<hbm>>) target(%arg13 : memref<80x128xf32, #tpu.memory_space<vmem>>) target_semaphore(%arg18 : memref<!tpu.dma_semaphore, #tpu.memory_space<semaphore_mem>>)
        } else {
        }
      } else {
      }
    }
    %scan3A_50 = arith.constant 31 : i32
    %add3A_51 = arith.constant 9920 : i32
    %add3A_52 = arith.addi %mul3A_2, %add3A_51 : i32
    %dma_wait3A = tpu.memref_slice %arg3[%add3A_52] : memref<320000xi32, #tpu.memory_space<hbm>> -> memref<80xi32, #tpu.memory_space<hbm>>
    %dma_wait3A_53 = tpu.memref_slice %arg3[%add3A_52] : memref<320000xi32, #tpu.memory_space<hbm>> -> memref<80xi32, #tpu.memory_space<hbm>>
    tpu.wait_dma2 semaphore(%arg16 : memref<!tpu.dma_semaphore, #tpu.memory_space<semaphore_mem>>) src(%dma_wait3A_53 : memref<80xi32, #tpu.memory_space<hbm>>) dst(%arg7 : memref<80xi32, #tpu.memory_space<vmem>>)
    %dma_wait3A_54 = arith.constant 0 : i32
    %dma_wait3A_55 = tpu.memref_slice %arg2[%add3A_52, %dma_wait3A_54] : memref<320000x128xf32, #tpu.memory_space<hbm>> -> memref<80x128xf32, #tpu.memory_space<hbm>>
    %dma_wait3A_56 = arith.constant 0 : i32
    %dma_wait3A_57 = tpu.memref_slice %arg2[%add3A_52, %dma_wait3A_56] : memref<320000x128xf32, #tpu.memory_space<hbm>> -> memref<80x128xf32, #tpu.memory_space<hbm>>
    tpu.wait_dma2 semaphore(%arg16 : memref<!tpu.dma_semaphore, #tpu.memory_space<semaphore_mem>>) src(%dma_wait3A_57 : memref<80x128xf32, #tpu.memory_space<hbm>>) dst(%arg11 : memref<80x128xf32, #tpu.memory_space<vmem>>)
    %dma_start3A_58 = arith.constant 0 : i32
    %dma_start3A_59 = arith.constant 0 : i32
    %dma_start3A_60 = tpu.memref_slice %arg15[%dma_start3A_58, %dma_start3A_59] : memref<10000x128xf32, #tpu.memory_space<vmem_shared>> -> memref<10000x128xf32, #tpu.memory_space<vmem_shared>>
    tpu.enqueue_indirect_dma source(%arg11 : memref<80x128xf32, #tpu.memory_space<vmem>>) target(%dma_start3A_60 : memref<10000x128xf32, #tpu.memory_space<vmem_shared>>) offsets(%arg7 : memref<80xi32, #tpu.memory_space<vmem>>) semaphore(%arg20 : memref<!tpu.dma_semaphore, #tpu.memory_space<semaphore_mem>>) {add = true}
    %dma_wait3A_61 = arith.constant 0 : i32
    %dma_wait3A_62 = arith.constant 0 : i32
    %dma_wait3A_63 = tpu.memref_slice %arg15[%dma_wait3A_61, %dma_wait3A_62] : memref<10000x128xf32, #tpu.memory_space<vmem_shared>> -> memref<10000x128xf32, #tpu.memory_space<vmem_shared>>
    tpu.wait_indirect_dma semaphore(%arg23 : memref<!tpu.dma_semaphore, #tpu.memory_space<semaphore_mem>>) src(%arg14 : memref<80x128xf32, #tpu.memory_space<vmem>>) dst(%dma_wait3A_63 : memref<10000x128xf32, #tpu.memory_space<vmem_shared>>)
    %dma_wait3A_64 = arith.constant 0 : i32
    %dma_wait3A_65 = arith.constant 0 : i32
    %dma_wait3A_66 = tpu.memref_slice %arg15[%dma_wait3A_64, %dma_wait3A_65] : memref<10000x128xf32, #tpu.memory_space<vmem_shared>> -> memref<10000x128xf32, #tpu.memory_space<vmem_shared>>
    tpu.wait_indirect_dma semaphore(%arg20 : memref<!tpu.dma_semaphore, #tpu.memory_space<semaphore_mem>>) src(%arg11 : memref<80x128xf32, #tpu.memory_space<vmem>>) dst(%dma_wait3A_66 : memref<10000x128xf32, #tpu.memory_space<vmem_shared>>)
    %barrier3A_67 = arith.constant 0 : index
    tpu.barrier barrier_id(%barrier3A_67)
    %eq3A_68 = arith.constant 0 : i32
    %eq3A_69 = arith.cmpi eq, %arg0, %eq3A_68 : i32
    %convert_element_type3A_70 = arith.extui %eq3A_69 : i1 to i32
    %cond3A_71 = arith.constant 0 : i32
    %cond3A_72 = arith.cmpi ne, %convert_element_type3A_70, %cond3A_71 : i32
    scf.if %cond3A_72 {
      "tpu.region"() ({
        %run_scoped3A = tpu.sem_alloc : memref<!tpu.dma_semaphore, #tpu.memory_space<semaphore_mem>>
        %dma_start3A_83 = arith.constant 0 : i32
        %dma_start3A_84 = tpu.memref_slice %arg5[%mul3A_4, %dma_start3A_83] : memref<10000x128xf32, #tpu.memory_space<hbm>> -> memref<624x128xf32, #tpu.memory_space<hbm>>
        %dma_start3A_85 = arith.constant 0 : i32
        %dma_start3A_86 = tpu.memref_slice %arg15[%mul3A_4, %dma_start3A_85] : memref<10000x128xf32, #tpu.memory_space<vmem_shared>> -> memref<624x128xf32, #tpu.memory_space<vmem_shared>>
        tpu.enqueue_dma source(%dma_start3A_86 : memref<624x128xf32, #tpu.memory_space<vmem_shared>>) target(%dma_start3A_84 : memref<624x128xf32, #tpu.memory_space<hbm>>) target_semaphore(%run_scoped3A : memref<!tpu.dma_semaphore, #tpu.memory_space<semaphore_mem>>)
        %dma_wait3A_87 = arith.constant 0 : i32
        %dma_wait3A_88 = tpu.memref_slice %arg5[%mul3A_4, %dma_wait3A_87] : memref<10000x128xf32, #tpu.memory_space<hbm>> -> memref<624x128xf32, #tpu.memory_space<hbm>>
        %dma_wait3A_89 = arith.constant 0 : i32
        %dma_wait3A_90 = tpu.memref_slice %arg15[%mul3A_4, %dma_wait3A_89] : memref<10000x128xf32, #tpu.memory_space<vmem_shared>> -> memref<624x128xf32, #tpu.memory_space<vmem_shared>>
        tpu.wait_dma2 semaphore(%run_scoped3A : memref<!tpu.dma_semaphore, #tpu.memory_space<semaphore_mem>>) src(%dma_wait3A_90 : memref<624x128xf32, #tpu.memory_space<vmem_shared>>) dst(%dma_wait3A_88 : memref<624x128xf32, #tpu.memory_space<hbm>>)
        tpu.yield
      }) : () -> ()
      %eq3A_78 = arith.constant 0 : i32
      %eq3A_79 = arith.cmpi eq, %arg1, %eq3A_78 : i32
      %convert_element_type3A_80 = arith.extui %eq3A_79 : i1 to i32
      %cond3A_81 = arith.constant 0 : i32
      %cond3A_82 = arith.cmpi ne, %convert_element_type3A_80, %cond3A_81 : i32
      scf.if %cond3A_82 {
        "tpu.region"() ({
          %run_scoped3A = tpu.sem_alloc : memref<!tpu.dma_semaphore, #tpu.memory_space<semaphore_mem>>
          %dma_start3A_83 = arith.constant 9984 : i32
          %dma_start3A_84 = arith.constant 0 : i32
          %dma_start3A_85 = tpu.memref_slice %arg5[%dma_start3A_83, %dma_start3A_84] : memref<10000x128xf32, #tpu.memory_space<hbm>> -> memref<16x128xf32, #tpu.memory_space<hbm>>
          %dma_start3A_86 = arith.constant 9984 : i32
          %dma_start3A_87 = arith.constant 0 : i32
          %dma_start3A_88 = tpu.memref_slice %arg15[%dma_start3A_86, %dma_start3A_87] : memref<10000x128xf32, #tpu.memory_space<vmem_shared>> -> memref<16x128xf32, #tpu.memory_space<vmem_shared>>
          tpu.enqueue_dma source(%dma_start3A_88 : memref<16x128xf32, #tpu.memory_space<vmem_shared>>) target(%dma_start3A_85 : memref<16x128xf32, #tpu.memory_space<hbm>>) target_semaphore(%run_scoped3A : memref<!tpu.dma_semaphore, #tpu.memory_space<semaphore_mem>>)
          %dma_wait3A_89 = arith.constant 9984 : i32
          %dma_wait3A_90 = arith.constant 0 : i32
          %dma_wait3A_91 = tpu.memref_slice %arg5[%dma_wait3A_89, %dma_wait3A_90] : memref<10000x128xf32, #tpu.memory_space<hbm>> -> memref<16x128xf32, #tpu.memory_space<hbm>>
          %dma_wait3A_92 = arith.constant 9984 : i32
          %dma_wait3A_93 = arith.constant 0 : i32
          %dma_wait3A_94 = tpu.memref_slice %arg15[%dma_wait3A_92, %dma_wait3A_93] : memref<10000x128xf32, #tpu.memory_space<vmem_shared>> -> memref<16x128xf32, #tpu.memory_space<vmem_shared>>
          tpu.wait_dma2 semaphore(%run_scoped3A : memref<!tpu.dma_semaphore, #tpu.memory_space<semaphore_mem>>) src(%dma_wait3A_94 : memref<16x128xf32, #tpu.memory_space<vmem_shared>>) dst(%dma_wait3A_91 : memref<16x128xf32, #tpu.memory_space<hbm>>)
          tpu.yield
        }) : () -> ()
      } else {
      }
    } else {
    }
    %eq3A_73 = arith.constant 1 : i32
    %eq3A_74 = arith.cmpi eq, %arg0, %eq3A_73 : i32
    %convert_element_type3A_75 = arith.extui %eq3A_74 : i1 to i32
    %cond3A_76 = arith.constant 0 : i32
    %cond3A_77 = arith.cmpi ne, %convert_element_type3A_75, %cond3A_76 : i32
    scf.if %cond3A_77 {
      "tpu.region"() ({
        %run_scoped3A = tpu.sem_alloc : memref<!tpu.dma_semaphore, #tpu.memory_space<semaphore_mem>>
        %dma_start3A_83 = arith.constant 0 : i32
        %dma_start3A_84 = tpu.memref_slice %arg6[%mul3A_4, %dma_start3A_83] : memref<10000x128xf32, #tpu.memory_space<hbm>> -> memref<624x128xf32, #tpu.memory_space<hbm>>
        %dma_start3A_85 = arith.constant 0 : i32
        %dma_start3A_86 = tpu.memref_slice %arg15[%mul3A_4, %dma_start3A_85] : memref<10000x128xf32, #tpu.memory_space<vmem_shared>> -> memref<624x128xf32, #tpu.memory_space<vmem_shared>>
        tpu.enqueue_dma source(%dma_start3A_86 : memref<624x128xf32, #tpu.memory_space<vmem_shared>>) target(%dma_start3A_84 : memref<624x128xf32, #tpu.memory_space<hbm>>) target_semaphore(%run_scoped3A : memref<!tpu.dma_semaphore, #tpu.memory_space<semaphore_mem>>)
        %dma_wait3A_87 = arith.constant 0 : i32
        %dma_wait3A_88 = tpu.memref_slice %arg6[%mul3A_4, %dma_wait3A_87] : memref<10000x128xf32, #tpu.memory_space<hbm>> -> memref<624x128xf32, #tpu.memory_space<hbm>>
        %dma_wait3A_89 = arith.constant 0 : i32
        %dma_wait3A_90 = tpu.memref_slice %arg15[%mul3A_4, %dma_wait3A_89] : memref<10000x128xf32, #tpu.memory_space<vmem_shared>> -> memref<624x128xf32, #tpu.memory_space<vmem_shared>>
        tpu.wait_dma2 semaphore(%run_scoped3A : memref<!tpu.dma_semaphore, #tpu.memory_space<semaphore_mem>>) src(%dma_wait3A_90 : memref<624x128xf32, #tpu.memory_space<vmem_shared>>) dst(%dma_wait3A_88 : memref<624x128xf32, #tpu.memory_space<hbm>>)
        tpu.yield
      }) : () -> ()
      %eq3A_78 = arith.constant 0 : i32
      %eq3A_79 = arith.cmpi eq, %arg1, %eq3A_78 : i32
      %convert_element_type3A_80 = arith.extui %eq3A_79 : i1 to i32
      %cond3A_81 = arith.constant 0 : i32
      %cond3A_82 = arith.cmpi ne, %convert_element_type3A_80, %cond3A_81 : i32
      scf.if %cond3A_82 {
        "tpu.region"() ({
          %run_scoped3A = tpu.sem_alloc : memref<!tpu.dma_semaphore, #tpu.memory_space<semaphore_mem>>
          %dma_start3A_83 = arith.constant 9984 : i32
          %dma_start3A_84 = arith.constant 0 : i32
          %dma_start3A_85 = tpu.memref_slice %arg6[%dma_start3A_83, %dma_start3A_84] : memref<10000x128xf32, #tpu.memory_space<hbm>> -> memref<16x128xf32, #tpu.memory_space<hbm>>
          %dma_start3A_86 = arith.constant 9984 : i32
          %dma_start3A_87 = arith.constant 0 : i32
          %dma_start3A_88 = tpu.memref_slice %arg15[%dma_start3A_86, %dma_start3A_87] : memref<10000x128xf32, #tpu.memory_space<vmem_shared>> -> memref<16x128xf32, #tpu.memory_space<vmem_shared>>
          tpu.enqueue_dma source(%dma_start3A_88 : memref<16x128xf32, #tpu.memory_space<vmem_shared>>) target(%dma_start3A_85 : memref<16x128xf32, #tpu.memory_space<hbm>>) target_semaphore(%run_scoped3A : memref<!tpu.dma_semaphore, #tpu.memory_space<semaphore_mem>>)
          %dma_wait3A_89 = arith.constant 9984 : i32
          %dma_wait3A_90 = arith.constant 0 : i32
          %dma_wait3A_91 = tpu.memref_slice %arg6[%dma_wait3A_89, %dma_wait3A_90] : memref<10000x128xf32, #tpu.memory_space<hbm>> -> memref<16x128xf32, #tpu.memory_space<hbm>>
          %dma_wait3A_92 = arith.constant 9984 : i32
          %dma_wait3A_93 = arith.constant 0 : i32
          %dma_wait3A_94 = tpu.memref_slice %arg15[%dma_wait3A_92, %dma_wait3A_93] : memref<10000x128xf32, #tpu.memory_space<vmem_shared>> -> memref<16x128xf32, #tpu.memory_space<vmem_shared>>
          tpu.wait_dma2 semaphore(%run_scoped3A : memref<!tpu.dma_semaphore, #tpu.memory_space<semaphore_mem>>) src(%dma_wait3A_94 : memref<16x128xf32, #tpu.memory_space<vmem_shared>>) dst(%dma_wait3A_91 : memref<16x128xf32, #tpu.memory_space<hbm>>)
          tpu.yield
        }) : () -> ()
      } else {
      }
    } else {
    }
    return
  }
}

module attributes {stable_mosaic.version = 14 : i64} {
  func.func @_add_body(%arg0: memref<10000x128xf32, #tpu.memory_space<vmem>>, %arg1: memref<10000x128xf32, #tpu.memory_space<vmem>>, %arg2: memref<10000x128xf32, #tpu.memory_space<vmem>>) attributes {dimension_semantics = [], scalar_prefetch = 0 : i64, scratch_operands = 0 : i64, tpu.core_type = #tpu.core_type<tc>} {
    %get3A = arith.constant 0 : index
    %get3A_0 = arith.constant 0 : index
    %get3A_1 = vector.load %arg0[%get3A, %get3A_0] : memref<10000x128xf32, #tpu.memory_space<vmem>>, vector<10000x128xf32>
    %get3A_2 = arith.constant 0 : index
    %get3A_3 = arith.constant 0 : index
    %get3A_4 = vector.load %arg1[%get3A_2, %get3A_3] : memref<10000x128xf32, #tpu.memory_space<vmem>>, vector<10000x128xf32>
    %add3A = arith.addf %get3A_1, %get3A_4 : vector<10000x128xf32>
    %swap3A = arith.constant 0 : index
    %swap3A_5 = arith.constant 0 : index
    %swap3A_6 = vector.load %arg2[%swap3A, %swap3A_5] : memref<10000x128xf32, #tpu.memory_space<vmem>>, vector<10000x128xf32>
    tpu.vector_store %arg2[%swap3A, %swap3A_5], %add3A {strides = array<i32>} : memref<10000x128xf32, #tpu.memory_space<vmem>>, vector<10000x128xf32>,
    return
  }
}

</mosaic_0001>

<sc_bundles>
// kernel: kernel.4.cloned.1.call-start
scs
__scs_entry_jumppad:
0x0: {  	(pc) =	sbr.rel $0x88, $3  }
0x1: {  	(tag) =	ssettag $0x0;
	lr =	simm.s32 $0x1  }
0x2: {  	[smem:$0x3F9F] =	sst lr;
	_ =	strace $0xD0000000  }
0x3: {  	_ = 	snop  }
0x4: {  	_ = 	snop  }
0x5: {  	_ = 	snop  }
0x6: {  	_ = 	snop  }
0x7: {  	_ = 	snop  }
__scs_overlays_trampoline_lowered:
0x8: {  	[smem:$0x3FAE] =	sst s0  }
0x9: {  	[smem:$0x3FAF] =	sst s1  }
0xa: {  	[smem:$0x3FB0] =	sst s2  }
0xb: {  	[smem:$0x3FB1] =	sst s3  }
0xc: {  	[smem:$0x3FB2] =	sst s4  }
0xd: {  	[smem:$0x3FB3] =	sst s5  }
0xe: {  	[smem:$0x3FB4] =	sst s6  }
0xf: {  	[smem:$0x3FB5] =	sst s7  }
0x10: {  	[smem:$0x3FB6] =	sst s8  }
0x11: {  	[smem:$0x3FB7] =	sst s9;
	s0 =	simm.s32 @!p0 $0x0  }
0x12: {  	s1 =	sld [smem:$0x3F9D];
	s0 =	simm.s32 @p0 $0x1  }
0x13: {  	[smem:$0x3FB8] =	sst s0;
	s0 =	simm.s32 @!p1 $0x0  }
0x14: {  	s2 =	sld [smem:$0x3F9C];
	s0 =	simm.s32 @p1 $0x1  }
0x15: {  	[smem:$0x3FB9] =	sst s0;
	s0 =	simm.s32 @!p2 $0x0  }
0x16: {  	s3 =	sld [smem:$0x3FDB];
	s0 =	simm.s32 @p2 $0x1  }
0x17: {  	s4 =	simm.s32 $0x1BF5;
	[smem:$0x3FBB] =	sst s0  }
0x18: {  	s0 =	sld [smem:$0x3F9E];
	_ =	swait.ge [sflag:s4], $0x0  }
0x19: {  	s7 =	sld [smem:$0x3F9F]  }
0x1a: {  	s8 =	sadd.s32 $0xFFFFE003, lr  }
0x1b: {  	s9 =	sadd.s32 $0xFFFFFEF7, lr;
	s5 =	simm.s32 $0xFFFFFFFF;
	p2 =	slt.u32 s8, $0xFFFFF086  }
0x1c: {  	p1 =	slt.u32 s9, $0xF7A;
	s5 =	simm.s32 @!p2 $0x0  }
0x1d: {  	s5 =	simm.s32 @p1 $0x1;
	p0 =	seq.s32 s7, s2  }
0x1e: {  	s7 =	smul.u32 @!p0 $0xF7A, s2;
	p2 =	seq.s32 @!p0 s5, $0x0  }
0x1f: {  	s9 =	smul.u32 $0xF7A, s1;
	s8 =	simm.s32 @!p0 $0x1BF5;
	p2 =	por !p2, p0  }
0x20: {  	[sflag:s8] =	ssyncset.s32 @!p0 $0xFFFFF086;
	s6 =	sadd.s32 @!p0 s3, s7;
	s7 =	simm.s32 @!p0 $0x108  }
0x21: {  	s3 =	sadd.s32 s3, s9;
	s6 =	sadd.s32 @!p0 $0x88, s6;
	s7 =	simm.s32 @p2 $0x1082  }
0x22: {  	[simem:s7], [sflag:s8] =	dma.local @!p0 [hbm:s6], $0xF7A  }
0x23: {  	s9 =	sor.u32 $0xD0000000, s2;
	s6 =	simm.s32 $0x108;
	_ =	swait.ge @!p0 [sflag:s8], $0x0  }
0x24: {  	s3 =	sadd.s32 $0x88, s3;
	s6 =	simm.s32 @!p1 $0x1082;
	[sflag:s4] =	ssyncset.s32 $0xFFFFF086  }
0x25: {  	[simem:s6], [sflag:s4] =	dma.local [hbm:s3], $0xF7A  }
0x26: {  	[smem:$0x3F9F] =	sst s1;
	(tag) =	ssettag s2;
	_ =	strace s9  }
0x27: {  	s1 =	sld [smem:$0x3FAF]  }
0x28: {  	s2 =	sld [smem:$0x3FB0]  }
0x29: {  	s4 =	sld [smem:$0x3FB2]  }
0x2a: {  	p0 =	seq.s32 s5, $0x0;
	s5 =	sld [smem:$0x3FB3]  }
0x2b: {  	s6 =	sld [smem:$0x3FB4]  }
0x2c: {  	s7 =	sld [smem:$0x3FB5]  }
0x2d: {  	s3 =	simm.s32 $0x108;
	s8 =	sld [smem:$0x3FB6]  }
0x2e: {  	s3 =	simm.s32 @!p0 $0x1082;
	s9 =	sld [smem:$0x3FB7]  }
0x2f: {  	lr =	sadd.s32 s0, s3;
	s0 =	sld [smem:$0x3FAE]  }
0x30: {  	s3 =	sld [smem:$0x3FB1]  }
0x31: {  	[smem:$0x3FBA] =	sst s10  }
0x32: {  	s10 =	sld [smem:$0x3FB8];
	_ =	sdelay $0x3  }
0x33: {  	p0 =	seq.s32 s10, $0x1;
	s10 =	sld [smem:$0x3FBA];
	_ =	sdelay $0x3  }
0x34: {  	[smem:$0x3FBA] =	sst s10  }
0x35: {  	s10 =	sld [smem:$0x3FB9];
	_ =	sdelay $0x3  }
0x36: {  	p1 =	seq.s32 s10, $0x1;
	s10 =	sld [smem:$0x3FBA];
	_ =	sdelay $0x3  }
0x37: {  	[smem:$0x3FBA] =	sst s10  }
0x38: {  	s10 =	sld [smem:$0x3FBB]  }
0x39: {  	_ = 	snop;
	(pc) =	sbr.ind lr, $3  }
0x3a: {  	_ = 	snop  }
0x3b: {  	_ = 	snop  }
0x3c: {  	p2 =	seq.s32 s10, $0x1;
	s10 =	sld [smem:$0x3FBA]  }
0x3d: {  	_ =	shalt  }
0x3e: {  	_ =	shalt  }
0x3f: {  	_ =	shalt  }
0x40: {  	_ =	shalt  }
0x41: {  	_ =	shalt  }
0x42: {  	_ =	shalt  }
0x43: {  	_ =	shalt  }
0x44: {  	_ =	shalt  }
0x45: {  	_ =	shalt  }
0x46: {  	_ =	shalt  }
0x47: {  	_ =	shalt  }
0x48: {  	_ =	shalt  }
0x49: {  	_ =	shalt  }
0x4a: {  	_ =	shalt  }
0x4b: {  	_ =	shalt  }
0x4c: {  	_ =	shalt  }
0x4d: {  	_ =	shalt  }
0x4e: {  	_ =	shalt  }
0x4f: {  	_ =	shalt  }
0x50: {  	_ =	shalt  }
0x51: {  	_ =	shalt  }
0x52: {  	_ =	shalt  }
0x53: {  	_ =	shalt  }
0x54: {  	_ =	shalt  }
0x55: {  	_ =	shalt  }
0x56: {  	_ =	shalt  }
0x57: {  	_ =	shalt  }
0x58: {  	_ =	shalt  }
0x59: {  	_ =	shalt  }
0x5a: {  	_ =	shalt  }
0x5b: {  	_ =	shalt  }
0x5c: {  	_ =	shalt  }
0x5d: {  	_ =	shalt  }
0x5e: {  	_ =	shalt  }
0x5f: {  	_ =	shalt  }
0x60: {  	_ =	shalt  }
0x61: {  	_ =	shalt  }
0x62: {  	_ =	shalt  }
0x63: {  	_ =	shalt  }
0x64: {  	_ =	shalt  }
0x65: {  	_ =	shalt  }
0x66: {  	_ =	shalt  }
0x67: {  	_ =	shalt  }
0x68: {  	_ =	shalt  }
0x69: {  	_ =	shalt  }
0x6a: {  	_ =	shalt  }
0x6b: {  	_ =	shalt  }
0x6c: {  	_ =	shalt  }
0x6d: {  	_ =	shalt  }
0x6e: {  	_ =	shalt  }
0x6f: {  	_ =	shalt  }
0x70: {  	_ =	shalt  }
0x71: {  	_ =	shalt  }
0x72: {  	_ =	shalt  }
0x73: {  	_ =	shalt  }
0x74: {  	_ =	shalt  }
0x75: {  	_ =	shalt  }
0x76: {  	_ =	shalt  }
0x77: {  	_ =	shalt  }
0x78: {  	_ =	shalt  }
0x79: {  	_ =	shalt  }
0x7a: {  	_ =	shalt  }
0x7b: {  	_ =	shalt  }
0x7c: {  	_ =	shalt  }
0x7d: {  	_ =	shalt  }
0x7e: {  	_ =	shalt  }
0x7f: {  	_ =	shalt  }
0x80: {  	_ =	shalt  }
0x81: {  	_ =	shalt  }
0x82: {  	_ =	shalt  }
0x83: {  	_ =	shalt  }
0x84: {  	_ =	shalt  }
0x85: {  	_ =	shalt  }
0x86: {  	_ =	shalt  }
0x87: {  	_ =	shalt  }
.Lfunc_end0:
.L_simem_size_0:
called_computation_lowered:
.L_overlay_start_0:
0x88: {  	s2 =	sld [smem:$0x3FD9]  }
0x89: {  	s3 =	sld [smem:$0x3FFE];
	_ =	sdelay $0x1  }
0x8a: {  	s1 =	srdreg.scid  }
0x8b: {  	s0 =	sand.u32 $0x1, s1  }
0x8c: {  	s17 =	sshll.u32 s0, $0xA;
	s2 =	sadd.s32 s3, s2  }
0x8d: {  	s2 =	sadd.s32 s2, s17  }
0x8e: {  	[smem:$0x3FC6] =	sst s2  }
0x8f: {  	_ = 	snop  }
0x90: {  	s2 =	sld [smem:$0x3FC9]  }
0x91: {  	s18 =	sld [smem:$0x3FC8]  }
0x92: {  	s4 =	sld [smem:$0x3FD0];
	(tm) =	ssettm $0x1  }
0x93: {  	s5 =	sld [smem:$0x3FFB];
	_ =	sdelay $0x3  }
0x94: {  	_ =	strace s5  }
0x95: {  	s5 =	sld [smem:$0x3FFC];
	_ =	sdelay $0x3  }
0x96: {  	_ =	strace s5  }
0x97: {  	s5 =	sld [smem:$0x3FFD];
	_ =	sdelay $0x3  }
0x98: {  	_ =	strace s5  }
0x99: {  	_ =	strace $0x8FFFFFFF  }
0x9a: {  	s19 =	sld [smem:$0x3FDB];
	_ =	sdelay $0x1  }
0x9b: {  	s6 =	simm.s32 $_scs_section_size  }
0x9c: {  	s7 =	simm.s32 $_size__tile_overlayer_lowered;
	s8 =	simm.s32 $_tile_overlayer_lowered  }
0x9d: {  	s22 =	simm.s32 $0x1BFF;
	s21 =	sshll.u32 s8, $0x1;
	s5 =	sadd.s32 s6, s19  }
0x9e: {  	s9 =	simm.s32 $0x0;
	s20 =	sshll.u32 s7, $0x1;
	s7 =	sadd.s32 s21, s5  }
0x9f: {  	[timem:s9], [sflag:s22] =	dma.local [hbm:s7], s20  }
0xa0: {  	_ =	swait.ge [sflag:s22], s20  }
0xa1: {  	s6 =	ssub.s32 $0x0, s20;
	[sflag:s22] =	ssyncset.done $0x0  }
0xa2: {  	[sflag:s22] =	ssyncadd.s32 s6;
	_ =	sdelay $0x1  }
0xa3: {  	s23 =	simm.s32 $0x1B8B  }
0xa4: {  	_ =	swait.ge [sflag:s23], $0x1  }
0xa5: {  	[sflag:s23] =	ssyncset.done $0x0  }
0xa6: {  	s25 =	simm.s32 $0x1B8E;
	s24 =	sld [smem:$0x3FFE];
	[sflag:s23] =	ssyncadd.s32 $0xFFFFFFFF  }
0xa7: {  	s26 =	simm.s32 $execute0_lowered;
	[smem:$0x3FD2] =	sst s25  }
0xa8: {  	s7 =	sshll.u32 s26, $0x1;
	_ =	strace $0x80000046;
	[dreg:$0x1] =	wrdreg $0xFFFFFFFF  }
0xa9: {  	s28 =	simm.s32 $_size_execute0_lowered;
	s5 =	sadd.s32 s5, s7;
	[dreg:$0x0] =	wrdreg $0x0  }
0xaa: {  	s7 =	sshll.u32 s28, $0x1;
	[dreg:$0x2] =	wrdreg s5  }
0xab: {  	[dreg:$0x3] =	wrdreg s7  }
0xac: {  	[dreg:$0x4] =	wrdreg $0xC0  }
0xad: {  	_ =	task [dreg:s9], $0x5FFFF  }
0xae: {  	[dreg:$0x1] =	wrdreg $0xFFFFFFFF  }
0xaf: {  	[dreg:$0x0] =	wrdreg $0x60  }
0xb0: {  	[dreg:$0x2] =	wrdreg s2  }
0xb1: {  	[dreg:$0x3] =	wrdreg s18  }
0xb2: {  	[dreg:$0x4] =	wrdreg s4  }
0xb3: {  	[dreg:$0x5] =	wrdreg s24  }
0xb4: {  	[dreg:$0x6] =	wrdreg $0xA2000  }
0xb5: {  	[dreg:$0x7] =	wrdreg $0x9  }
0xb6: {  	_ =	task.clear_ibuf [dreg:s9], $0x8FFFF;
	_ =	strace $0x90000046  }
0xb7: {  	s29 =	simm.s32 $0x9;
	_ =	strace $0x80000048  }
0xb8: {  	_ =	swait.ge [sflag:s29], $0x1  }
0xb9: {  	[sflag:s29] =	ssyncadd.s32 $0xFFFFFFFF  }
0xba: {  	_ =	strace $0x90000048  }
0xbb: {  	_ =	sfence  }
0xbc: {  	s30 =	sld [smem:$0x0];
	_ =	sdelay $0x2  }
0xbd: {  	s31 =	sshll.u32 s1, $0xD;
	s1 =	sshrl.u32 s1, $0x2  }
0xbe: {  	s3 =	sand.u32 $0x4000, s31;
	s1 =	sadd.s32 s1, s30  }
0xbf: {  	s0 =	sor.u32 s3, s0;
	s1 =	sshll.u32 s1, $0x11  }
0xc0: {  	s0 =	sor.u32 s1, s0  }
0xc1: {  	s0 =	sadd.s32 $0x8F2B, s0  }
0xc2: {  	[sflag:s0] =	ssyncadd.remote.s32 $0x1  }
0xc3: {  	_ =	sfence.sel $0xFFFF  }
0xc4: {  	[dreg:$0x0] =	wrdreg $0xFFFFFFFF;
	(pc) =	sbr.abs _section_cstart, $3  }
0xc5: {  	[dreg:$0x1] =	wrdreg $0xFFFFFFFF  }
0xc6: {  	_ =	task.clear_ibuf [dreg:s9], $0x2FFFF;
	_ =	strace $0x9FFFFFFF  }
0xc7: {  	(tm) =	ssettm $0x7FFFFFFF  }
tec
execute0_lowered:
.L_overlay_start_1:
0x0: {  	(tag) =	ssettag $0x1  }
0x1: {  	s0 =	rddreg [dreg:$0x0]  }
0x2: {  	s1 =	rddreg [dreg:$0x1]  }
0x3: {  	s2 =	rddreg [dreg:$0x2]  }
0x4: {  	s5 =	rddreg [dreg:$0x3]  }
0x5: {  	s4 =	srdreg.scid;
	s6 =	stileid.u32  }
0x6: {  	s3 =	rddreg [dreg:$0x4];
	s29 =	simm.s32 $0x200;
	s30 =	simm.s32 $0x80  }
0x7: {  	s31 =	simm.s32 $0x2A00;
	s7 =	sand.u32 $0x1, s4;
	s25 =	smul.u32 $0x4E000, s6  }
0x8: {  	s8 =	sshll.u32 s6, $0x1;
	s4 =	simm.s32 $0x0;
	s28 =	smul.u32 $0x2700, s6  }
0x9: {  	s14 =	sadd.s32 $0xC00, s5;
	s15 =	sadd.s32 $0x27E00, s5;
	s13 =	smul.u32 $0x4E20, s6  }
0xa: {  	p1 =	sne.s32 s6, $0x0;
	p2 =	seq.s32 s6, $0x0;
	s8 =	sor.u32 s7, s8  }
0xb: {  	[smem:$0x7FF] =	sst s4;
	s10 =	ssub.s32 $0x2, s7;
	s9 =	smul.u32 $0x2710, s8  }
0xc: {  	_ =	strace $0x80000047;
	s8 =	smul.u32 $0x27100, s8;
	[dreg:$0x6] =	wrdreg s14  }
0xd: {  	p0 =	seq.s32 s7, $0x1;
	s11 =	sshrl.u32 s10, $0x1;
	[dreg:$0x7] =	wrdreg s15  }
0xe: {  	s5 =	ssub.s32 s10, s11;
	s12 =	sshrl.u32 s9, $0x3;
	s8 =	sadd.s32 s0, s8  }
0xf: {  	s18 =	sadd.s32 $0x50, s9;
	s19 =	sadd.s32 $0xA0, s9;
	s24 =	sadd.s32 $0xF0, s9  }
0x10: {  	s5 =	smax.u32 s5, $0x1;
	s17 =	sadd.s32 s1, s12;
	[dreg:$0x9] =	wrdreg s8  }
0x11: {  	s20 =	sshrl.u32 s18, $0x3;
	s8 =	sshll.u32 s18, $0x4;
	s21 =	sshrl.u32 s19, $0x3  }
0x12: {  	s23 =	sshll.u32 s19, $0x4;
	s26 =	sshrl.u32 s24, $0x3;
	s16 =	sshll.u32 s24, $0x4  }
0x13: {  	s18 =	sshrl.u32 s25, $0x2;
	s19 =	smul.u32 $0x27100, s7;
	[dreg:$0x16] =	wrdreg s5  }
0x14: {  	s7 =	smul.u32 $0x2710, s7;
	s24 =	sadd.s32 s15, s28;
	[dreg:$0x8] =	wrdreg s17  }
0x15: {  	s5 =	simm.s32 $0x5200;
	s11 =	sadd.s32 s1, s20;
	[dreg:$0x15] =	wrdreg s24  }
0x16: {  	s12 =	simm.s32 $0x6;
	s8 =	sadd.s32 s0, s8;
	[dreg:$0xa] =	wrdreg s11  }
0x17: {  	s22 =	sadd.s32 s1, s21;
	s17 =	smul.u32 $0x4E200, s6;
	[dreg:$0xb] =	wrdreg s8  }
0x18: {  	s20 =	sshll.u32 s6, $0x6;
	s21 =	sadd.s32 s2, s28;
	[dreg:$0xc] =	wrdreg s22  }
0x19: {  	s2 =	sadd.s32 $0x27000, s2;
	s6 =	simm.s32 $0x180;
	[dreg:$0x11] =	wrdreg s21  }
0x1a: {  	s8 =	sadd.s32 s0, s23;
	s25 =	sor.u32 $0x1C09, s20;
	[dreg:$0x13] =	wrdreg s2  }
0x1b: {  	s22 =	sadd.s32 s7, s13;
	s20 =	sadd.s32 $0x190, s9;
	s21 =	sadd.s32 $0x1E0, s9  }
0x1c: {  	s23 =	sadd.s32 s14, s28;
	s28 =	sadd.s32 $0x138000, s3;
	s7 =	simm.s32 $0x1  }
0x1d: {  	s11 =	simm.s32 $0x3;
	s13 =	simm.s32 $0x4;
	[dreg:$0xd] =	wrdreg s8  }
0x1e: {  	s14 =	simm.s32 $0x7;
	s8 =	sadd.s32 s1, s26;
	[dreg:$0x14] =	wrdreg s23  }
0x1f: {  	s10 =	sadd.s32 s17, s0;
	s2 =	sadd.s32 $0xF0, s22;
	[dreg:$0x19] =	wrdreg s28  }
0x20: {  	s22 =	simm.s32 $0x7A00;
	s23 =	simm.s32 $0x9;
	[dreg:$0x12] =	wrdreg s25  }
0x21: {  	[dreg:$0xe] =	wrdreg s8;
	s8 =	sadd.s32 s0, s16;
	s10 =	sadd.s32 s19, s10  }
.Ltmp0:
0x22: {  	s19 =	sadd.s32 $0x140, s9;
	s2 =	sshrl.u32 s2, $0x3;
	(pc) =	sbr.rel .LBB2_1-.Ltmp0, $4  }
0x23: {  	s9 =	simm.s32 $0x2;
	[dreg:$0xf] =	wrdreg s8;
	s8 =	sadd.s32 s18, s3  }
0x24: {  	s16 =	simm.s32 $0x0;
	s26 =	sadd.s32 $0xF00, s10;
	[dreg:$0x10] =	wrdreg s8  }
0x25: {  	s2 =	sadd.s32 s2, s1;
	s10 =	simm.s32 $0x5;
	[dreg:$0x17] =	wrdreg s26  }
0x26: {  	[dreg:$0x18] =	wrdreg s2;
	s2 =	simm.s32 $0x100;
	s8 =	simm.s32 $0x50  }
.LBB2_7:
0x27: {  	s17 =	rddreg [dreg:$0x19]  }
0x28: {  	s15 =	sadd.s32 $0x27000, s18;
	s17 =	sshrl.u32 s17, $0x3  }
0x29: {  	[hbm:s15], [sflag:s25] =	dma.local [spmem:s17], $0x100  }
0x2a: {  	_ =	swait.ge [sflag:s23], $0x100  }
0x2b: {  	[sflag:s23] =	ssyncset.done $0x0  }
0x2c: {  	[sflag:s23] =	ssyncadd.s32 $0xFFFFFF00  }
.LBB2_8:
0x2d: {  	s16 =	sadd.s32 $0x1, s16;
	s15 =	rddreg [dreg:$0x16]  }
0x2e: {  	p3 =	sne.s32 s16, s15  }
.Ltmp1:
0x2f: {  	_ = 	snop;
	(pc) =	sbr.rel @!p3 .LBB2_9-.Ltmp1, $1  }
0x30: {  	_ =	sdelay $0x3  }
.LBB2_1:
0x31: {  	s15 =	rddreg [dreg:$0x8]  }
0x32: {  	s26 =	rddreg [dreg:$0x9]  }
0x33: {  	[tilespmem:s4], [sflag:$0x1] =	stream.linear.gather [hbm4b:s15+s4], $0x50, $0x38;
	[tilespmem:$0x1DA80] =	vst v63  }
0x34: {  	s17 =	rddreg [dreg:$0xa]  }
0x35: {  	[tilespmem:s29], [sflag:$0x1] =	stream.linear.gather [hbm4b:s26+s4], $0x2800, $0x38;
	[tilespmem:$0x1DA80] =	vst v63  }
0x36: {  	s18 =	rddreg [dreg:$0xb]  }
0x37: {  	[tilespmem:s30], [sflag:$0x2] =	stream.linear.gather [hbm4b:s17+s4], $0x50, $0x38;
	[tilespmem:$0x1DA80] =	vst v63  }
0x38: {  	s24 =	rddreg [dreg:$0xc]  }
0x39: {  	[tilespmem:s31], [sflag:$0x2] =	stream.linear.gather [hbm4b:s18+s4], $0x2800, $0x38;
	[tilespmem:$0x1DA80] =	vst v63  }
0x3a: {  	s26 =	rddreg [dreg:$0xd]  }
0x3b: {  	[tilespmem:s2], [sflag:$0x3] =	stream.linear.gather [hbm4b:s24+s4], $0x50, $0x38;
	[tilespmem:$0x1DA80] =	vst v63  }
0x3c: {  	s17 =	rddreg [dreg:$0xe]  }
0x3d: {  	[tilespmem:s5], [sflag:$0x3] =	stream.linear.gather [hbm4b:s26+s4], $0x2800, $0x38;
	[tilespmem:$0x1DA80] =	vst v63  }
0x3e: {  	s18 =	rddreg [dreg:$0xf]  }
0x3f: {  	[tilespmem:s6], [sflag:$0x4] =	stream.linear.gather [hbm4b:s17+s4], $0x50, $0x38;
	[tilespmem:$0x1DA80] =	vst v63  }
0x40: {  	s24 =	rddreg [dreg:$0x10]  }
0x41: {  	[tilespmem:s22], [sflag:$0x4] =	stream.linear.gather [hbm4b:s18+s4], $0x2800, $0x38;
	[tilespmem:$0x1DA80] =	vst v63  }
0x42: {  	s26 =	rddreg [dreg:$0x11];
	s18 =	sshrl.u32 s24, $0x3  }
0x43: {  	[spmem:s18], [sflag:s25] =	dma.local [hbm:s26], $0x2700  }
0x44: {  	_ =	swait.ge [sflag:s23], $0x2700  }
0x45: {  	[sflag:s23] =	ssyncset.done $0x0;
	s15 =	rddreg [dreg:$0x19]  }
0x46: {  	[sflag:s23] =	ssyncadd.s32 $0xFFFFD900;
	s24 =	sshrl.u32 @!p1 s15, $0x3;
	s15 =	rddreg [dreg:$0x13]  }
0x47: {  	[spmem:s24], [sflag:s25] =	dma.local @!p1 [hbm:s15], $0x100  }
0x48: {  	s24 =	simm.s32 @!p1 $0x9  }
0x49: {  	_ =	swait.ge @!p1 [sflag:s24], $0x100  }
0x4a: {  	[sflag:s24] =	ssyncset.done @!p1 $0x0  }
0x4b: {  	[sflag:s24] =	ssyncadd.s32 @!p1 $0xFFFFFF00  }
0x4c: {  	[bflag:$0x0] =	sbarrier.arrive $0xFFFF  }
0x4d: {  	s26 =	rddreg [dreg:$0x18]  }
0x4e: {  	s28 =	simm.s32 $0x0;
	s25 =	rddreg [dreg:$0x17]  }
.LBB2_2:
0x4f: {  	_ =	swait.ge [sflag:s7], $0x50  }
0x50: {  	[sflag:s7] =	ssyncset.done $0x0  }
0x51: {  	[sflag:s7] =	ssyncadd.s32 $0xFFFFFFB0  }
0x52: {  	_ =	swait.ge [sflag:s7], $0x2800  }
0x53: {  	p3 =	seq.s32 s28, $0x0;
	[sflag:s7] =	ssyncset.done $0x0  }
0x54: {  	s24 =	simm.s32 @!p3 $0x8;
	[sflag:s7] =	ssyncadd.s32 $0xFFFFD800  }
0x55: {  	[spmem:s3] =	stream.indirect.scatter.add.f32 [tilespmem:s29], [sflag:$0x5], $0x80, s4, s8, $0xb8;
	[tilespmem:$0x1DA80] =	vst v63  }
0x56: {  	_ =	swait.ge @!p3 [sflag:s24], $0x2800  }
0x57: {  	[sflag:s24] =	ssyncset.done @!p3 $0x0  }
0x58: {  	s15 =	simm.s32 @!p3 $0x180;
	[sflag:s24] =	ssyncadd.s32 @!p3 $0xFFFFD800;
	s24 =	simm.s32 @!p3 $0x0  }
0x59: {  	[tilespmem:s15], [sflag:$0x4] =	stream.linear.gather @!p3 [hbm4b:s26+s24], $0x50, $0x38;
	[tilespmem:$0x1DA80] =	vst v63  }
0x5a: {  	s15 =	simm.s32 @!p3 $0x7A00  }
0x5b: {  	[tilespmem:s15], [sflag:$0x4] =	stream.linear.gather @!p3 [hbm4b:s25+s24], $0x2800, $0x38;
	[tilespmem:$0x1DA80] =	vst v63  }
0x5c: {  	_ =	swait.ge [sflag:s9], $0x50  }
0x5d: {  	[sflag:s9] =	ssyncset.done $0x0  }
0x5e: {  	[sflag:s9] =	ssyncadd.s32 $0xFFFFFFB0  }
0x5f: {  	_ =	swait.ge [sflag:s9], $0x2800  }
0x60: {  	s24 =	smov.u32 s28;
	[sflag:s9] =	ssyncset.done $0x0  }
0x61: {  	s24 =	simm.s32 @p3 $0x0;
	[sflag:s9] =	ssyncadd.s32 $0xFFFFD800  }
0x62: {  	[spmem:s3] =	stream.indirect.scatter.add.f32 [tilespmem:s31], [sflag:$0x6], $0x80, s30, s8, $0xb8;
	[tilespmem:$0x1DA80] =	vst v63  }
0x63: {  	s15 =	sadd.s32 s24, s19;
	_ =	swait.ge [sflag:s10], $0x2800  }
0x64: {  	s17 =	sshrl.u32 s15, $0x3;
	[sflag:s10] =	ssyncset.done $0x0  }
0x65: {  	s15 =	sshll.u32 s15, $0x4;
	s17 =	sadd.s32 s1, s17;
	[sflag:s10] =	ssyncadd.s32 $0xFFFFD800  }
0x66: {  	[tilespmem:s4], [sflag:$0x1] =	stream.linear.gather [hbm4b:s17+s4], $0x50, $0x38;
	[tilespmem:$0x1DA80] =	vst v63  }
0x67: {  	s15 =	sadd.s32 s0, s15  }
0x68: {  	[tilespmem:s29], [sflag:$0x1] =	stream.linear.gather [hbm4b:s15+s4], $0x2800, $0x38;
	[tilespmem:$0x1DA80] =	vst v63  }
0x69: {  	_ =	swait.ge [sflag:s11], $0x50  }
0x6a: {  	[sflag:s11] =	ssyncset.done $0x0  }
0x6b: {  	[sflag:s11] =	ssyncadd.s32 $0xFFFFFFB0  }
0x6c: {  	_ =	swait.ge [sflag:s11], $0x2800  }
0x6d: {  	p3 =	seq.s32 s28, $0x2580;
	[sflag:s11] =	ssyncset.done $0x0  }
.Ltmp2:
0x6e: {  	[sflag:s11] =	ssyncadd.s32 $0xFFFFD800;
	(pc) =	sbr.rel @p3 .LBB2_4-.Ltmp2, $4  }
0x6f: {  	[spmem:s3] =	stream.indirect.scatter.add.f32 [tilespmem:s5], [sflag:$0x7], $0x80, s2, s8, $0xb8;
	[tilespmem:$0x1DA80] =	vst v63  }
0x70: {  	_ =	swait.ge [sflag:s12], $0x2800  }
0x71: {  	[sflag:s12] =	ssyncset.done $0x0  }
0x72: {  	[sflag:s12] =	ssyncadd.s32 $0xFFFFD800  }
0x73: {  	s15 =	sadd.s32 s24, s20  }
0x74: {  	s17 =	sshrl.u32 s15, $0x3  }
0x75: {  	s15 =	sshll.u32 s15, $0x4;
	s17 =	sadd.s32 s1, s17  }
0x76: {  	[tilespmem:s30], [sflag:$0x2] =	stream.linear.gather [hbm4b:s17+s4], $0x50, $0x38;
	[tilespmem:$0x1DA80] =	vst v63  }
0x77: {  	s15 =	sadd.s32 s0, s15  }
0x78: {  	[tilespmem:s31], [sflag:$0x2] =	stream.linear.gather [hbm4b:s15+s4], $0x2800, $0x38;
	[tilespmem:$0x1DA80] =	vst v63  }
0x79: {  	_ =	swait.ge [sflag:s13], $0x50  }
0x7a: {  	[sflag:s13] =	ssyncset.done $0x0  }
0x7b: {  	[sflag:s13] =	ssyncadd.s32 $0xFFFFFFB0  }
0x7c: {  	_ =	swait.ge [sflag:s13], $0x2800  }
0x7d: {  	[sflag:s13] =	ssyncset.done $0x0  }
0x7e: {  	[sflag:s13] =	ssyncadd.s32 $0xFFFFD800  }
0x7f: {  	[spmem:s3] =	stream.indirect.scatter.add.f32 [tilespmem:s22], [sflag:$0x8], $0x80, s6, s8, $0xb8;
	[tilespmem:$0x1DA80] =	vst v63  }
0x80: {  	s28 =	sadd.s32 $0x140, s28;
	s15 =	sadd.s32 s24, s21;
	_ =	swait.ge [sflag:s14], $0x2800  }
.Ltmp3:
0x81: {  	s24 =	sshrl.u32 s15, $0x3;
	[sflag:s14] =	ssyncset.done $0x0;
	(pc) =	sbr.rel .LBB2_2-.Ltmp3, $4  }
0x82: {  	s15 =	sshll.u32 s15, $0x4;
	s17 =	sadd.s32 s1, s24;
	[sflag:s14] =	ssyncadd.s32 $0xFFFFD800  }
0x83: {  	[tilespmem:s2], [sflag:$0x3] =	stream.linear.gather [hbm4b:s17+s4], $0x50, $0x38;
	[tilespmem:$0x1DA80] =	vst v63  }
0x84: {  	s25 =	sadd.s32 $0x1400, s25;
	s26 =	sadd.s32 $0x28, s26;
	s15 =	sadd.s32 s0, s15  }
0x85: {  	[tilespmem:s5], [sflag:$0x3] =	stream.linear.gather [hbm4b:s15+s4], $0x2800, $0x38;
	[tilespmem:$0x1DA80] =	vst v63  }
.LBB2_4:
0x86: {  	_ =	swait.ge [sflag:s13], $0x50  }
0x87: {  	[sflag:s13] =	ssyncset.done $0x0  }
0x88: {  	[sflag:s13] =	ssyncadd.s32 $0xFFFFFFB0  }
0x89: {  	_ =	swait.ge [sflag:s13], $0x2800  }
0x8a: {  	[sflag:s13] =	ssyncset.done $0x0  }
0x8b: {  	[sflag:s13] =	ssyncadd.s32 $0xFFFFD800  }
0x8c: {  	[spmem:s3] =	stream.indirect.scatter.add.f32 [tilespmem:s22], [sflag:$0x8], $0x80, s6, s8, $0xb8;
	[tilespmem:$0x1DA80] =	vst v63  }
0x8d: {  	_ =	swait.ge [sflag:s14], $0x2800  }
0x8e: {  	[sflag:s14] =	ssyncset.done $0x0  }
0x8f: {  	[sflag:s14] =	ssyncadd.s32 $0xFFFFD800  }
0x90: {  	_ =	swait.ge [sflag:s7], $0x50  }
0x91: {  	[sflag:s7] =	ssyncset.done $0x0  }
0x92: {  	[sflag:s7] =	ssyncadd.s32 $0xFFFFFFB0  }
0x93: {  	_ =	swait.ge [sflag:s7], $0x2800  }
0x94: {  	[sflag:s7] =	ssyncset.done $0x0  }
0x95: {  	s15 =	simm.s32 $0x8;
	[sflag:s7] =	ssyncadd.s32 $0xFFFFD800  }
0x96: {  	[spmem:s3] =	stream.indirect.scatter.add.f32 [tilespmem:s29], [sflag:$0x5], $0x80, s4, s8, $0xb8;
	[tilespmem:$0x1DA80] =	vst v63  }
0x97: {  	_ =	swait.ge [sflag:s15], $0x2800  }
0x98: {  	[sflag:s15] =	ssyncset.done $0x0  }
0x99: {  	[sflag:s15] =	ssyncadd.s32 $0xFFFFD800  }
.Ltmp4:
0x9a: {  	_ =	swait.ge [sflag:s10], $0x2800;
	(pc) =	sbr.rel @!p0 .LBB2_5-.Ltmp4, $3  }
0x9b: {  	[sflag:s10] =	ssyncset.done $0x0  }
0x9c: {  	[sflag:s10] =	ssyncadd.s32 $0xFFFFD800  }
0x9d: {  	[bflag:$0x0] =	sbarrier.arrive $0xFFFF;
	_ =	sdelay $0x1  }
0x9e: {  	s25 =	rddreg [dreg:$0x12]  }
0x9f: {  	s15 =	rddreg [dreg:$0x15]  }
0xa0: {  	[hbm:s15], [sflag:s25] =	dma.local [spmem:s18], $0x2700  }
.Ltmp5:
0xa1: {  	_ = 	snop;
	(pc) =	sbr.rel @p1 .LBB2_8-.Ltmp5, $4  }
.Ltmp6:
0xa2: {  	_ = 	snop;
	(pc) =	sbr.rel @!p1 .LBB2_7-.Ltmp6, $4  }
0xa3: {  	_ =	swait.ge [sflag:s23], $0x2700  }
0xa4: {  	[sflag:s23] =	ssyncset.done $0x0  }
0xa5: {  	s18 =	rddreg [dreg:$0x7];
	[sflag:s23] =	ssyncadd.s32 $0xFFFFD900  }
0xa6: {  	_ = 	snop  }
.LBB2_5:
0xa7: {  	s25 =	rddreg [dreg:$0x12]  }
0xa8: {  	s15 =	rddreg [dreg:$0x14]  }
0xa9: {  	[hbm:s15], [sflag:s25] =	dma.local [spmem:s18], $0x2700  }
.Ltmp7:
0xaa: {  	_ = 	snop;
	(pc) =	sbr.rel @!p2 .LBB2_8-.Ltmp7, $4  }
.Ltmp8:
0xab: {  	_ = 	snop;
	(pc) =	sbr.rel @p2 .LBB2_7-.Ltmp8, $4  }
0xac: {  	_ =	swait.ge [sflag:s23], $0x2700  }
0xad: {  	[sflag:s23] =	ssyncset.done $0x0  }
0xae: {  	s18 =	rddreg [dreg:$0x6];
	[sflag:s23] =	ssyncadd.s32 $0xFFFFD900  }
0xaf: {  	_ = 	snop  }
.LBB2_9:
0xb0: {  	_ =	sfence.sel $0x180000  }
0xb1: {  	[bflag:$0x0] =	sbarrier.arrive $0xFFFF  }
0xb2: {  	_ =	strace $0x90000047  }
0xb3: {  	[bflag:$0x2] =	sbarrier.arrive $0xFFFF  }
0xb4: {  	s0 =	rddreg [dreg:$0x5]  }
0xb5: {  	s0 =	sadd.s32 @!p1 $0x100000, s0  }
0xb6: {  	[sflag:s0] =	ssyncadd.tile.s32 @!p1 $0x1;
	_ =	shalt  }
.Lfunc_end2:
_tile_overlayer_lowered:
.L_overlay_start_2:
0xb7: {  	(tag) =	ssettag $0x2  }
0xb8: {  	s0 =	rddreg [dreg:$0x0];
	s2 =	stileid.u32  }
0xb9: {  	s1 =	rddreg [dreg:$0x1];
	p0 =	sne.s32 s2, $0x0  }
0xba: {  	s3 =	rddreg [dreg:$0x2];
	[bflag:$0x3] =	sbarrier.arrive $0xFFFF;
	s2 =	simm.s32 @!p0 $0x1C09  }
0xbb: {  	[timem:s3], [sflag:s2] =	dma.local @!p0 [hbm:s0], s1  }
0xbc: {  	s0 =	simm.s32 @!p0 $0x9  }
0xbd: {  	_ =	swait.ge @!p0 [sflag:s0], s1  }
0xbe: {  	s1 =	ssub.s32 @!p0 $0x0, s1;
	[sflag:s0] =	ssyncset.done @!p0 $0x0  }
0xbf: {  	[sflag:s0] =	ssyncadd.s32 @!p0 s1  }
0xc0: {  	[bflag:$0x3] =	sbarrier.arrive $0xFFFF  }
0xc1: {  	_ =	shalt  }

</sc_bundles>
